<compile_context>
chip_gen: v7x
topology: tpu7x:2x2x1
jax: 0.10.2.dev20260603
libtpu: 0.0.44.dev20260713+nightly
codegen_flags: <defaults>
</compile_context>

<pallas_src>
import functools

import jax
import jax.numpy as jnp
from jax import lax
from jax.experimental import pallas as pl
from jax.experimental.pallas import tpu as pltpu
from jax.experimental.pallas import tpu_sc as plsc

_NUM_SELECT = 300
_BIG = 2**30
_NEG = -2.0


def _lists_kernel(x_ref, p_ref, v_ref, c_ref, *, Q, C, n_chunks):
    for i in range(n_chunks):
        lo = i * 128
        hi = min(lo + 128, Q)
        rows = hi - lo
        p_ref[0, i, 0:rows, :] = jax.nn.sigmoid(x_ref[0, lo:hi, :])
        if rows < 128:
            p_ref[0, i, rows:128, :] = jnp.full((128 - rows, C), -1.0, jnp.float32)

    iota_c3 = jax.lax.broadcasted_iota(jnp.int32, (n_chunks, 128, C), 2)
    p = p_ref[0]
    v0 = jnp.max(p, axis=2)
    c0 = jnp.min(jnp.where(p == v0[..., None], iota_c3, _BIG), axis=2)
    valid = (p < v0[..., None]) | ((p == v0[..., None]) & (iota_c3 > c0[..., None]))
    pm = jnp.where(valid, p, -1.0)
    v1 = jnp.max(pm, axis=2)
    c1 = jnp.min(jnp.where(pm == v1[..., None], iota_c3, _BIG), axis=2)
    v_ref[0, 0] = v0
    v_ref[0, 1] = v1
    c_ref[0, 0] = c0
    c_ref[0, 1] = c1


def _sc_extract(v_hbm, c_hbm, p_hbm, boxes_hbm, scores_hbm, labels_hbm,
                boxout_hbm, vv, cv, row_ref, bx_ref, m_ref, m2_ref, k_ref,
                cc_ref, sc_ref, la_ref, bi_ref, gb_ref,
                *, Q, C, n_rows, k_pad, n_select):
    b = lax.axis_index("s") * 2 + lax.axis_index("c")
    nl = 2 * n_rows
    pltpu.sync_copy(v_hbm.at[pl.ds(b * nl, nl)], vv)
    pltpu.sync_copy(c_hbm.at[pl.ds(b * nl, nl)], cv)
    pltpu.sync_copy(boxes_hbm.at[pl.ds(b * Q * 4, Q * 4)], bx_ref)
    iota = lax.broadcasted_iota(jnp.int32, (16,), 0)
    n_vec = n_rows // 16
    n_vec2 = n_vec // 16
    n_cvec = C // 16

    def init_m(g, _):
        sl = pl.ds(pl.multiple_of(g * 16, 16), 16)
        vvec = vv[sl]
        m_ref[sl] = vvec
        cc_ref[sl] = cv[sl]
        k_ref[sl] = jnp.zeros((16,), jnp.int32)
        base = (g // 16) * 16
        sl2 = pl.ds(pl.multiple_of(base, 16), 16)
        m2_ref[sl2] = jnp.where(iota == g - base, jnp.max(vvec), m2_ref[sl2])
        return 0

    lax.fori_loop(0, n_vec, init_m, 0)

    def init_out(j, _):
        sl = pl.ds(pl.multiple_of(j * 16, 16), 16)
        sc_ref[sl] = jnp.zeros((16,), jnp.float32)
        la_ref[sl] = jnp.zeros((16,), jnp.int32)
        bi_ref[sl] = jnp.zeros((16,), jnp.int32)
        return 0

    lax.fori_loop(0, k_pad // 16, init_out, 0)

    def step(it, carry):
        def mx(i, acc):
            return jnp.maximum(acc, jnp.max(m2_ref[pl.ds(pl.multiple_of(i * 16, 16), 16)]))
        m = lax.fori_loop(0, n_vec2, mx, jnp.float32(-3.0))

        def fe(i, acc):
            v2 = m2_ref[pl.ds(pl.multiple_of(i * 16, 16), 16)]
            return jnp.minimum(acc, jnp.min(jnp.where(v2 == m, iota + i * 16, _BIG)))
        g = lax.fori_loop(0, n_vec2, fe, jnp.int32(_BIG))

        gs = pl.multiple_of(g * 16, 16)
        mv = m_ref[pl.ds(gs, 16)]
        q = jnp.min(jnp.where(mv == m, iota + g * 16, _BIG))
        lane_q = q - g * 16
        kvec = k_ref[pl.ds(gs, 16)]
        kq = jnp.max(jnp.where(iota == lane_q, kvec, 0))
        cvec = cc_ref[pl.ds(gs, 16)]
        cval = jnp.max(jnp.where(iota == lane_q, cvec, 0))

        def _fast_next():
            nvec = vv[pl.ds(pl.multiple_of(n_rows + gs, 16), 16)]
            ncvec = cv[pl.ds(pl.multiple_of(n_rows + gs, 16), 16)]
            nv = jnp.max(jnp.where(iota == lane_q, nvec, jnp.float32(_NEG)))
            nc = jnp.max(jnp.where(iota == lane_q, ncvec, 0))
            return nv, nc

        def _refill():
            off = (b * n_rows + q) * C
            pltpu.sync_copy(p_hbm.at[pl.ds(off, C)], row_ref)

            def mx2(j, acc):
                pv = row_ref[pl.ds(pl.multiple_of(j * 16, 16), 16)]
                cvi = iota + j * 16
                ok = (pv < m) | ((pv == m) & (cvi > cval))
                return jnp.maximum(acc, jnp.max(jnp.where(ok, pv, jnp.float32(_NEG))))

            nv = lax.fori_loop(0, n_cvec, mx2, jnp.float32(_NEG))

            def mc2(j, acc):
                pv = row_ref[pl.ds(pl.multiple_of(j * 16, 16), 16)]
                cvi = iota + j * 16
                ok = (pv < m) | ((pv == m) & (cvi > cval))
                return jnp.minimum(acc, jnp.min(jnp.where(ok & (pv == nv), cvi, _BIG)))

            nc = lax.fori_loop(0, n_cvec, mc2, jnp.int32(_BIG))
            return nv, nc

        nval, ncl = lax.cond(kq == 0, _fast_next, _refill)

        mv2 = jnp.where(iota == lane_q, nval, mv)
        m_ref[pl.ds(gs, 16)] = mv2
        base = (g // 16) * 16
        sl2 = pl.ds(pl.multiple_of(base, 16), 16)
        m2_ref[sl2] = jnp.where(iota == g - base, jnp.max(mv2), m2_ref[sl2])
        k_ref[pl.ds(gs, 16)] = jnp.where(iota == lane_q, kq + 1, kvec)
        cc_ref[pl.ds(gs, 16)] = jnp.where(iota == lane_q, ncl, cvec)

        ob = (it // 16) * 16
        slo = pl.ds(pl.multiple_of(ob, 16), 16)
        lane_it = it - ob
        sc_ref[slo] = jnp.where(iota == lane_it, m, sc_ref[slo])
        la_ref[slo] = jnp.where(iota == lane_it, cval, la_ref[slo])
        bi_ref[slo] = jnp.where(iota == lane_it, q, bi_ref[slo])
        return 0

    lax.fori_loop(0, n_select, step, 0)

    def gbvec(v, _):
        qv = plsc.load_gather(bi_ref, [v * 4 + iota // 4])
        gb_ref[pl.ds(pl.multiple_of(v * 16, 16), 16)] = \
            plsc.load_gather(bx_ref, [qv * 4 + iota % 4])
        return 0

    lax.fori_loop(0, k_pad * 4 // 16, gbvec, 0)

    pltpu.sync_copy(sc_ref, scores_hbm.at[pl.ds(b * k_pad, k_pad)])
    pltpu.sync_copy(la_ref, labels_hbm.at[pl.ds(b * k_pad, k_pad)])
    pltpu.sync_copy(gb_ref, boxout_hbm.at[pl.ds(b * k_pad * 4, k_pad * 4)])


def kernel(pred_logits, pred_boxes, target_sizes):
    B, Q, C = pred_logits.shape
    n_chunks = (Q + 127) // 128
    n_rows = n_chunks * 128
    k = _NUM_SELECT
    k_pad = ((k + 15) // 16) * 16

    lfun = functools.partial(_lists_kernel, Q=Q, C=C, n_chunks=n_chunks)
    probs, vlists, clists = pl.pallas_call(
        lfun,
        grid=(B,),
        in_specs=[pl.BlockSpec((1, Q, C), lambda b: (b, 0, 0))],
        out_specs=[
            pl.BlockSpec((1, n_chunks, 128, C), lambda b: (b, 0, 0, 0)),
            pl.BlockSpec((1, 2, n_chunks, 128), lambda b: (b, 0, 0, 0)),
            pl.BlockSpec((1, 2, n_chunks, 128), lambda b: (b, 0, 0, 0)),
        ],
        out_shape=[
            jax.ShapeDtypeStruct((B, n_chunks, 128, C), jnp.float32),
            jax.ShapeDtypeStruct((B, 2, n_chunks, 128), jnp.float32),
            jax.ShapeDtypeStruct((B, 2, n_chunks, 128), jnp.int32),
        ],
    )(pred_logits)

    mesh = plsc.VectorSubcoreMesh(core_axis_name="c", subcore_axis_name="s")
    sfun = functools.partial(_sc_extract, Q=Q, C=C, n_rows=n_rows, k_pad=k_pad,
                             n_select=k)
    sc_call = pl.kernel(
        sfun,
        mesh=mesh,
        compiler_params=pltpu.CompilerParams(needs_layout_passes=False),
        out_type=[
            jax.ShapeDtypeStruct((B * k_pad,), jnp.float32),
            jax.ShapeDtypeStruct((B * k_pad,), jnp.int32),
            jax.ShapeDtypeStruct((B * k_pad * 4,), jnp.float32),
        ],
        scratch_types=[
            pltpu.VMEM((2 * n_rows,), jnp.float32),
            pltpu.VMEM((2 * n_rows,), jnp.int32),
            pltpu.VMEM((C,), jnp.float32),
            pltpu.VMEM((Q * 4,), jnp.float32),
            pltpu.VMEM((n_rows,), jnp.float32),
            pltpu.VMEM((n_rows // 16,), jnp.float32),
            pltpu.VMEM((n_rows,), jnp.int32),
            pltpu.VMEM((n_rows,), jnp.int32),
            pltpu.VMEM((k_pad,), jnp.float32),
            pltpu.VMEM((k_pad,), jnp.int32),
            pltpu.VMEM((k_pad,), jnp.int32),
            pltpu.VMEM((k_pad * 4,), jnp.float32),
        ],
    )
    scores_f, labels_f, gbox = sc_call(
        vlists.reshape(B * 2 * n_rows),
        clists.reshape(B * 2 * n_rows),
        probs.reshape(B * n_rows * C),
        pred_boxes.reshape(B * Q * 4),
    )
    scores_f = scores_f.reshape(B, k_pad)
    labels_f = labels_f.reshape(B, k_pad)
    gbox = gbox.reshape(B, k_pad, 4)

    gb = gbox[:, :k, :]
    cx, cy, w, h = (gb[..., i] for i in range(4))
    boxes = jnp.stack([cx - 0.5 * w, cy - 0.5 * h, cx + 0.5 * w, cy + 0.5 * h],
                      axis=-1)
    scores = scores_f[:, :k]
    labels = labels_f[:, :k]

    img_h = target_sizes[:, 0]
    img_w = target_sizes[:, 1]
    scale_fct = jnp.stack([img_w, img_h, img_w, img_h], axis=1).astype(jnp.float32)
    return scores, labels, boxes * scale_fct[:, None, :]

# --- scband reference (transcript-rebuilt; emitter-appended) ---
"""Pipeline reference for scband-post-process-55138790146572 (READ-ONLY COPY).

The authoritative reference and input builder live on the scoring server;
editing this copy changes nothing except your own understanding.
"""

import jax, jax.numpy as jnp
import numpy as np

NUM_SELECT = 300

def box_cxcywh_to_xyxy(b):
    cx, cy, w, h = b[..., 0], b[..., 1], b[..., 2], b[..., 3]
    return jnp.stack([cx - 0.5 * w, cy - 0.5 * h, cx + 0.5 * w, cy + 0.5 * h], axis=-1)

def setup_inputs(seed: int = 0) -> dict:
    key = jax.random.key(seed)
    k1, k2, k3 = jax.random.split(key, 3)
    pred_logits = jax.random.normal(k1, (32, 5000, 256), dtype=jnp.float32)
    pred_boxes = jax.random.uniform(k2, (32, 5000, 4), dtype=jnp.float32)
    target_sizes = jax.random.randint(k3, (32, 2), 0, 1333, dtype=jnp.int32)
    return {"pred_logits": pred_logits, "pred_boxes": pred_boxes, "target_sizes": target_sizes}

def reference(pred_logits, pred_boxes, target_sizes):
    B, Q, C = pred_logits.shape
    prob = jax.nn.sigmoid(pred_logits)
    topk_values, topk_indexes = jax.lax.top_k(prob.reshape(B, -1), NUM_SELECT)
    scores = topk_values
    topk_boxes = topk_indexes // C
    labels = topk_indexes % C
    boxes = box_cxcywh_to_xyxy(pred_boxes)
    boxes = jnp.take_along_axis(boxes, topk_boxes[:, :, None], axis=1)
    img_h = target_sizes[:, 0]
    img_w = target_sizes[:, 1]
    scale_fct = jnp.stack([img_w, img_h, img_w, img_h], axis=1).astype(boxes.dtype)
    boxes = boxes * scale_fct[:, None, :]
    return scores, labels, boxes

if __name__ == "__main__":
    import jax
    _d = setup_inputs()
    print(jax.jit(kernel)(*tuple(_d.values())))

</pallas_src>

<mosaic_0001>
#map = affine_map<(d0, d1) -> (0)>
module attributes {stable_mosaic.version = 14 : i64} {
  func.func @_sc_extract(%arg0: i32, %arg1: i32, %arg2: memref<327680xf32, #tpu.memory_space<hbm>>, %arg3: memref<327680xi32, #tpu.memory_space<hbm>>, %arg4: memref<41943040xf32, #tpu.memory_space<hbm>>, %arg5: memref<640000xf32, #tpu.memory_space<hbm>>, %arg6: memref<9728xf32, #tpu.memory_space<hbm>>, %arg7: memref<9728xi32, #tpu.memory_space<hbm>>, %arg8: memref<38912xf32, #tpu.memory_space<hbm>>, %arg9: memref<10240xf32, #tpu.memory_space<vmem>>, %arg10: memref<10240xi32, #tpu.memory_space<vmem>>, %arg11: memref<256xf32, #tpu.memory_space<vmem>>, %arg12: memref<20000xf32, #tpu.memory_space<vmem>>, %arg13: memref<5120xf32, #tpu.memory_space<vmem>>, %arg14: memref<320xf32, #tpu.memory_space<vmem>>, %arg15: memref<5120xi32, #tpu.memory_space<vmem>>, %arg16: memref<5120xi32, #tpu.memory_space<vmem>>, %arg17: memref<304xf32, #tpu.memory_space<vmem>>, %arg18: memref<304xi32, #tpu.memory_space<vmem>>, %arg19: memref<304xi32, #tpu.memory_space<vmem>>, %arg20: memref<1216xf32, #tpu.memory_space<vmem>>) attributes {dimension_semantics = [#tpu.dimension_semantics<core_parallel>, #tpu.dimension_semantics<subcore_parallel>], iteration_bounds = array<i64: 2, 16>, scalar_prefetch = 0 : i64, scratch_operands = 12 : i64, tpu.core_type = #tpu.core_type<sc_vector_subcore>, window_params = [{transform_indices = #map}, {transform_indices = #map}, {transform_indices = #map}, {transform_indices = #map}, {transform_indices = #map}, {transform_indices = #map}, {transform_indices = #map}]} {
    %mul3A = arith.constant 2 : i32
    %mul3A_0 = arith.muli %arg1, %mul3A : i32
    %add3A = arith.addi %mul3A_0, %arg0 : i32
    %mul3A_1 = arith.constant 10240 : i32
    %mul3A_2 = arith.muli %add3A, %mul3A_1 : i32
    "tpu.region"() ({
      %run_scoped3A = tpu.sem_alloc : memref<!tpu.dma_semaphore, #tpu.memory_space<semaphore_mem>>
      %dma_start3A = tpu.memref_slice %arg2[%mul3A_2] : memref<327680xf32, #tpu.memory_space<hbm>> -> memref<10240xf32, #tpu.memory_space<hbm>>
      %dma_start3A_44 = tpu.memref_slice %arg2[%mul3A_2] : memref<327680xf32, #tpu.memory_space<hbm>> -> memref<10240xf32, #tpu.memory_space<hbm>>
      tpu.enqueue_dma source(%dma_start3A_44 : memref<10240xf32, #tpu.memory_space<hbm>>) target(%arg9 : memref<10240xf32, #tpu.memory_space<vmem>>) target_semaphore(%run_scoped3A : memref<!tpu.dma_semaphore, #tpu.memory_space<semaphore_mem>>)
      %dma_wait3A = tpu.memref_slice %arg2[%mul3A_2] : memref<327680xf32, #tpu.memory_space<hbm>> -> memref<10240xf32, #tpu.memory_space<hbm>>
      %dma_wait3A_45 = tpu.memref_slice %arg2[%mul3A_2] : memref<327680xf32, #tpu.memory_space<hbm>> -> memref<10240xf32, #tpu.memory_space<hbm>>
      tpu.wait_dma2 semaphore(%run_scoped3A : memref<!tpu.dma_semaphore, #tpu.memory_space<semaphore_mem>>) src(%dma_wait3A_45 : memref<10240xf32, #tpu.memory_space<hbm>>) dst(%arg9 : memref<10240xf32, #tpu.memory_space<vmem>>)
      tpu.yield
    }) : () -> ()
    %mul3A_3 = arith.constant 10240 : i32
    %mul3A_4 = arith.muli %add3A, %mul3A_3 : i32
    "tpu.region"() ({
      %run_scoped3A = tpu.sem_alloc : memref<!tpu.dma_semaphore, #tpu.memory_space<semaphore_mem>>
      %dma_start3A = tpu.memref_slice %arg3[%mul3A_4] : memref<327680xi32, #tpu.memory_space<hbm>> -> memref<10240xi32, #tpu.memory_space<hbm>>
      %dma_start3A_44 = tpu.memref_slice %arg3[%mul3A_4] : memref<327680xi32, #tpu.memory_space<hbm>> -> memref<10240xi32, #tpu.memory_space<hbm>>
      tpu.enqueue_dma source(%dma_start3A_44 : memref<10240xi32, #tpu.memory_space<hbm>>) target(%arg10 : memref<10240xi32, #tpu.memory_space<vmem>>) target_semaphore(%run_scoped3A : memref<!tpu.dma_semaphore, #tpu.memory_space<semaphore_mem>>)
      %dma_wait3A = tpu.memref_slice %arg3[%mul3A_4] : memref<327680xi32, #tpu.memory_space<hbm>> -> memref<10240xi32, #tpu.memory_space<hbm>>
      %dma_wait3A_45 = tpu.memref_slice %arg3[%mul3A_4] : memref<327680xi32, #tpu.memory_space<hbm>> -> memref<10240xi32, #tpu.memory_space<hbm>>
      tpu.wait_dma2 semaphore(%run_scoped3A : memref<!tpu.dma_semaphore, #tpu.memory_space<semaphore_mem>>) src(%dma_wait3A_45 : memref<10240xi32, #tpu.memory_space<hbm>>) dst(%arg10 : memref<10240xi32, #tpu.memory_space<vmem>>)
      tpu.yield
    }) : () -> ()
    %mul3A_5 = arith.constant 5000 : i32
    %mul3A_6 = arith.muli %add3A, %mul3A_5 : i32
    %mul3A_7 = arith.constant 4 : i32
    %mul3A_8 = arith.muli %mul3A_6, %mul3A_7 : i32
    "tpu.region"() ({
      %run_scoped3A = tpu.sem_alloc : memref<!tpu.dma_semaphore, #tpu.memory_space<semaphore_mem>>
      %dma_start3A = tpu.memref_slice %arg5[%mul3A_8] : memref<640000xf32, #tpu.memory_space<hbm>> -> memref<20000xf32, #tpu.memory_space<hbm>>
      %dma_start3A_44 = tpu.memref_slice %arg5[%mul3A_8] : memref<640000xf32, #tpu.memory_space<hbm>> -> memref<20000xf32, #tpu.memory_space<hbm>>
      tpu.enqueue_dma source(%dma_start3A_44 : memref<20000xf32, #tpu.memory_space<hbm>>) target(%arg12 : memref<20000xf32, #tpu.memory_space<vmem>>) target_semaphore(%run_scoped3A : memref<!tpu.dma_semaphore, #tpu.memory_space<semaphore_mem>>)
      %dma_wait3A = tpu.memref_slice %arg5[%mul3A_8] : memref<640000xf32, #tpu.memory_space<hbm>> -> memref<20000xf32, #tpu.memory_space<hbm>>
      %dma_wait3A_45 = tpu.memref_slice %arg5[%mul3A_8] : memref<640000xf32, #tpu.memory_space<hbm>> -> memref<20000xf32, #tpu.memory_space<hbm>>
      tpu.wait_dma2 semaphore(%run_scoped3A : memref<!tpu.dma_semaphore, #tpu.memory_space<semaphore_mem>>) src(%dma_wait3A_45 : memref<20000xf32, #tpu.memory_space<hbm>>) dst(%arg12 : memref<20000xf32, #tpu.memory_space<vmem>>)
      tpu.yield
    }) : () -> ()
    %iota3A = tpu.iota {dimensions = array<i32: 0>} : vector<16xi32>
    %scan3A = arith.constant 0 : i32
    %scan3A_9 = arith.constant 0 : i32
    %scan3A_10 = arith.constant 320 : i32
    %scan3A_11 = arith.addi %scan3A_9, %scan3A_10 : i32
    %scan3A_12 = arith.constant 1 : i32
    %scan3A_13 = scf.for %scan3A_44 = %scan3A_9 to %scan3A_11 step %scan3A_12 iter_args(%scan3A_45 = %scan3A) -> (i32)  : i32 {
      %mul3A_46 = arith.constant 16 : i32
      %mul3A_47 = arith.muli %scan3A_44, %mul3A_46 : i32
      %multiple_of3A = tpu.assume_multiple %mul3A_47, 16 : i32
      %get3A = arith.index_cast %multiple_of3A : i32 to index
      %get3A_48 = tpu.vector_load %arg9[%get3A] {strides = array<i32>} : memref<10240xf32, #tpu.memory_space<vmem>>, vector<16xf32>,
      %swap3A = arith.index_cast %multiple_of3A : i32 to index
      %swap3A_49 = tpu.vector_load %arg13[%swap3A] {strides = array<i32>} : memref<5120xf32, #tpu.memory_space<vmem>>, vector<16xf32>,
      tpu.vector_store %arg13[%swap3A], %get3A_48 {strides = array<i32>} : memref<5120xf32, #tpu.memory_space<vmem>>, vector<16xf32>,
      %get3A_50 = arith.index_cast %multiple_of3A : i32 to index
      %get3A_51 = tpu.vector_load %arg10[%get3A_50] {strides = array<i32>} : memref<10240xi32, #tpu.memory_space<vmem>>, vector<16xi32>,
      %swap3A_52 = arith.index_cast %multiple_of3A : i32 to index
      %swap3A_53 = tpu.vector_load %arg16[%swap3A_52] {strides = array<i32>} : memref<5120xi32, #tpu.memory_space<vmem>>, vector<16xi32>,
      tpu.vector_store %arg16[%swap3A_52], %get3A_51 {strides = array<i32>} : memref<5120xi32, #tpu.memory_space<vmem>>, vector<16xi32>,
      %broadcast_in_dim3A = arith.constant 0 : i32
      %broadcast_in_dim3A_54 = vector.broadcast %broadcast_in_dim3A : i32 to vector<16xi32>
      %swap3A_55 = arith.index_cast %multiple_of3A : i32 to index
      %swap3A_56 = tpu.vector_load %arg15[%swap3A_55] {strides = array<i32>} : memref<5120xi32, #tpu.memory_space<vmem>>, vector<16xi32>,
      tpu.vector_store %arg15[%swap3A_55], %broadcast_in_dim3A_54 {strides = array<i32>} : memref<5120xi32, #tpu.memory_space<vmem>>, vector<16xi32>,
      %jit3A = arith.constant 16 : i32
      %div3A = arith.divsi %scan3A_44, %jit3A : i32
      %sign3A = arith.constant 0 : i32
      %sign3A_57 = arith.cmpi sgt, %scan3A_44, %sign3A : i32
      %sign3A_58 = arith.extui %sign3A_57 : i1 to i32
      %sign3A_59 = arith.constant 0 : i32
      %sign3A_60 = arith.cmpi slt, %scan3A_44, %sign3A_59 : i32
      %sign3A_61 = arith.extui %sign3A_60 : i1 to i32
      %sign3A_62 = arith.subi %sign3A_58, %sign3A_61 : i32
      %sign3A_63 = arith.constant 0 : i32
      %sign3A_64 = arith.cmpi sgt, %jit3A, %sign3A_63 : i32
      %sign3A_65 = arith.extui %sign3A_64 : i1 to i32
      %sign3A_66 = arith.constant 0 : i32
      %sign3A_67 = arith.cmpi slt, %jit3A, %sign3A_66 : i32
      %sign3A_68 = arith.extui %sign3A_67 : i1 to i32
      %sign3A_69 = arith.subi %sign3A_65, %sign3A_68 : i32
      %ne3A = arith.cmpi ne, %sign3A_62, %sign3A_69 : i32
      %rem3A = arith.remsi %scan3A_44, %jit3A : i32
      %ne3A_70 = arith.constant 0 : i32
      %ne3A_71 = arith.cmpi ne, %rem3A, %ne3A_70 : i32
      %and3A = arith.andi %ne3A, %ne3A_71 : i1
      %sub3A = arith.constant 1 : i32
      %sub3A_72 = arith.subi %div3A, %sub3A : i32
      %select_n3A = arith.select %and3A, %sub3A_72, %div3A : i32
      %mul3A_73 = arith.constant 16 : i32
      %mul3A_74 = arith.muli %select_n3A, %mul3A_73 : i32
      %multiple_of3A_75 = tpu.assume_multiple %mul3A_74, 16 : i32
      %sub3A_76 = arith.subi %scan3A_44, %mul3A_74 : i32
      %eq3A = vector.broadcast %sub3A_76 : i32 to vector<16xi32>
      %eq3A_77 = arith.cmpi eq, %iota3A, %eq3A : vector<16xi32>
      %reduce_max3A = arith.constant true
      %reduce_max3A_78 = vector.broadcast %reduce_max3A : i1 to vector<16xi1>
      %reduce_max3A_79 = tpu.scan <max>, %get3A_48 masked %reduce_max3A_78 : vector<16xf32>, vector<16xi1> -> vector<16xf32>
      %reduce_max3A_80 = vector.extract %reduce_max3A_79[15] : f32 from vector<16xf32>
      %get3A_81 = arith.index_cast %multiple_of3A_75 : i32 to index
      %get3A_82 = tpu.vector_load %arg14[%get3A_81] {strides = array<i32>} : memref<320xf32, #tpu.memory_space<vmem>>, vector<16xf32>,
      %broadcast_in_dim3A_83 = vector.broadcast %reduce_max3A_80 : f32 to vector<16xf32>
      %select_n3A_84 = arith.select %eq3A_77, %broadcast_in_dim3A_83, %get3A_82 : vector<16xi1>, vector<16xf32>
      %swap3A_85 = arith.index_cast %multiple_of3A_75 : i32 to index
      %swap3A_86 = tpu.vector_load %arg14[%swap3A_85] {strides = array<i32>} : memref<320xf32, #tpu.memory_space<vmem>>, vector<16xf32>,
      tpu.vector_store %arg14[%swap3A_85], %select_n3A_84 {strides = array<i32>} : memref<320xf32, #tpu.memory_space<vmem>>, vector<16xf32>,
      %scan3A_87 = arith.constant 0 : i32
      scf.yield %scan3A_87 : i32
    }
    %scan3A_14 = arith.constant 320 : i32
    %scan3A_15 = arith.constant 0 : i32
    %scan3A_16 = arith.constant 0 : i32
    %scan3A_17 = arith.constant 19 : i32
    %scan3A_18 = arith.addi %scan3A_16, %scan3A_17 : i32
    %scan3A_19 = arith.constant 1 : i32
    %scan3A_20 = scf.for %scan3A_44 = %scan3A_16 to %scan3A_18 step %scan3A_19 iter_args(%scan3A_45 = %scan3A_15) -> (i32)  : i32 {
      %mul3A_46 = arith.constant 16 : i32
      %mul3A_47 = arith.muli %scan3A_44, %mul3A_46 : i32
      %multiple_of3A = tpu.assume_multiple %mul3A_47, 16 : i32
      %broadcast_in_dim3A = arith.constant 0.000000e+00 : f32
      %broadcast_in_dim3A_48 = vector.broadcast %broadcast_in_dim3A : f32 to vector<16xf32>
      %swap3A = arith.index_cast %multiple_of3A : i32 to index
      %swap3A_49 = tpu.vector_load %arg17[%swap3A] {strides = array<i32>} : memref<304xf32, #tpu.memory_space<vmem>>, vector<16xf32>,
      tpu.vector_store %arg17[%swap3A], %broadcast_in_dim3A_48 {strides = array<i32>} : memref<304xf32, #tpu.memory_space<vmem>>, vector<16xf32>,
      %broadcast_in_dim3A_50 = arith.constant 0 : i32
      %broadcast_in_dim3A_51 = vector.broadcast %broadcast_in_dim3A_50 : i32 to vector<16xi32>
      %swap3A_52 = arith.index_cast %multiple_of3A : i32 to index
      %swap3A_53 = tpu.vector_load %arg18[%swap3A_52] {strides = array<i32>} : memref<304xi32, #tpu.memory_space<vmem>>, vector<16xi32>,
      tpu.vector_store %arg18[%swap3A_52], %broadcast_in_dim3A_51 {strides = array<i32>} : memref<304xi32, #tpu.memory_space<vmem>>, vector<16xi32>,
      %broadcast_in_dim3A_54 = arith.constant 0 : i32
      %broadcast_in_dim3A_55 = vector.broadcast %broadcast_in_dim3A_54 : i32 to vector<16xi32>
      %swap3A_56 = arith.index_cast %multiple_of3A : i32 to index
      %swap3A_57 = tpu.vector_load %arg19[%swap3A_56] {strides = array<i32>} : memref<304xi32, #tpu.memory_space<vmem>>, vector<16xi32>,
      tpu.vector_store %arg19[%swap3A_56], %broadcast_in_dim3A_55 {strides = array<i32>} : memref<304xi32, #tpu.memory_space<vmem>>, vector<16xi32>,
      %scan3A_58 = arith.constant 0 : i32
      scf.yield %scan3A_58 : i32
    }
    %scan3A_21 = arith.constant 19 : i32
    %scan3A_22 = arith.constant 0 : i32
    %scan3A_23 = arith.constant 0 : i32
    %scan3A_24 = arith.constant 300 : i32
    %scan3A_25 = arith.addi %scan3A_23, %scan3A_24 : i32
    %scan3A_26 = arith.constant 1 : i32
    %scan3A_27 = scf.for %scan3A_44 = %scan3A_23 to %scan3A_25 step %scan3A_26 iter_args(%scan3A_45 = %scan3A_22) -> (i32)  : i32 {
      %scan3A_46 = arith.constant -3.000000e+00 : f32
      %scan3A_47 = arith.constant 0 : i32
      %scan3A_48 = arith.constant 20 : i32
      %scan3A_49 = arith.addi %scan3A_47, %scan3A_48 : i32
      %scan3A_50 = arith.constant 1 : i32
      %scan3A_51 = scf.for %scan3A_217 = %scan3A_47 to %scan3A_49 step %scan3A_50 iter_args(%scan3A_218 = %scan3A_46) -> (f32)  : i32 {
        %mul3A_219 = arith.constant 16 : i32
        %mul3A_220 = arith.muli %scan3A_217, %mul3A_219 : i32
        %multiple_of3A_221 = tpu.assume_multiple %mul3A_220, 16 : i32
        %get3A_222 = arith.index_cast %multiple_of3A_221 : i32 to index
        %get3A_223 = tpu.vector_load %arg14[%get3A_222] {strides = array<i32>} : memref<320xf32, #tpu.memory_space<vmem>>, vector<16xf32>,
        %reduce_max3A_224 = arith.constant true
        %reduce_max3A_225 = vector.broadcast %reduce_max3A_224 : i1 to vector<16xi1>
        %reduce_max3A_226 = tpu.scan <max>, %get3A_223 masked %reduce_max3A_225 : vector<16xf32>, vector<16xi1> -> vector<16xf32>
        %reduce_max3A_227 = vector.extract %reduce_max3A_226[15] : f32 from vector<16xf32>
        %max3A = arith.maximumf %scan3A_218, %reduce_max3A_227 : f32
        scf.yield %max3A : f32
      }
      %scan3A_52 = arith.constant 20 : i32
      %scan3A_53 = arith.constant 1073741824 : i32
      %scan3A_54 = arith.constant 0 : i32
      %scan3A_55 = arith.constant 20 : i32
      %scan3A_56 = arith.addi %scan3A_54, %scan3A_55 : i32
      %scan3A_57 = arith.constant 1 : i32
      %scan3A_58 = scf.for %scan3A_217 = %scan3A_54 to %scan3A_56 step %scan3A_57 iter_args(%scan3A_218 = %scan3A_53) -> (i32)  : i32 {
        %mul3A_219 = arith.constant 16 : i32
        %mul3A_220 = arith.muli %scan3A_217, %mul3A_219 : i32
        %multiple_of3A_221 = tpu.assume_multiple %mul3A_220, 16 : i32
        %get3A_222 = arith.index_cast %multiple_of3A_221 : i32 to index
        %get3A_223 = tpu.vector_load %arg14[%get3A_222] {strides = array<i32>} : memref<320xf32, #tpu.memory_space<vmem>>, vector<16xf32>,
        %eq3A_224 = vector.broadcast %scan3A_51 : f32 to vector<16xf32>
        %eq3A_225 = arith.cmpf oeq, %get3A_223, %eq3A_224 : vector<16xf32>
        %mul3A_226 = arith.constant 16 : i32
        %mul3A_227 = arith.muli %scan3A_217, %mul3A_226 : i32
        %add3A_228 = vector.broadcast %mul3A_227 : i32 to vector<16xi32>
        %add3A_229 = arith.addi %iota3A, %add3A_228 : vector<16xi32>
        %jit3A_230 = arith.constant 1073741824 : i32
        %broadcast_in_dim3A_231 = vector.broadcast %jit3A_230 : i32 to vector<16xi32>
        %select_n3A_232 = arith.select %eq3A_225, %add3A_229, %broadcast_in_dim3A_231 : vector<16xi1>, vector<16xi32>
        %reduce_min3A_233 = arith.constant true
        %reduce_min3A_234 = vector.broadcast %reduce_min3A_233 : i1 to vector<16xi1>
        %reduce_min3A_235 = arith.constant -2147483648 : i32
        %reduce_min3A_236 = vector.broadcast %reduce_min3A_235 : i32 to vector<16xi32>
        %reduce_min3A_237 = arith.xori %select_n3A_232, %reduce_min3A_236 : vector<16xi32>
        %reduce_min3A_238 = tpu.scan <min>, %reduce_min3A_237 masked %reduce_min3A_234 : vector<16xi32>, vector<16xi1> -> vector<16xi32>
        %reduce_min3A_239 = arith.xori %reduce_min3A_238, %reduce_min3A_236 : vector<16xi32>
        %reduce_min3A_240 = vector.extract %reduce_min3A_239[15] : i32 from vector<16xi32>
        %min3A = arith.minsi %scan3A_218, %reduce_min3A_240 : i32
        scf.yield %min3A : i32
      }
      %scan3A_59 = arith.constant 20 : i32
      %mul3A_60 = arith.constant 16 : i32
      %mul3A_61 = arith.muli %scan3A_58, %mul3A_60 : i32
      %multiple_of3A = tpu.assume_multiple %mul3A_61, 16 : i32
      %get3A = arith.index_cast %multiple_of3A : i32 to index
      %get3A_62 = tpu.vector_load %arg13[%get3A] {strides = array<i32>} : memref<5120xf32, #tpu.memory_space<vmem>>, vector<16xf32>,
      %eq3A = vector.broadcast %scan3A_51 : f32 to vector<16xf32>
      %eq3A_63 = arith.cmpf oeq, %get3A_62, %eq3A : vector<16xf32>
      %mul3A_64 = arith.constant 16 : i32
      %mul3A_65 = arith.muli %scan3A_58, %mul3A_64 : i32
      %add3A_66 = vector.broadcast %mul3A_65 : i32 to vector<16xi32>
      %add3A_67 = arith.addi %iota3A, %add3A_66 : vector<16xi32>
      %jit3A = arith.constant 1073741824 : i32
      %broadcast_in_dim3A = vector.broadcast %jit3A : i32 to vector<16xi32>
      %select_n3A = arith.select %eq3A_63, %add3A_67, %broadcast_in_dim3A : vector<16xi1>, vector<16xi32>
      %reduce_min3A = arith.constant true
      %reduce_min3A_68 = vector.broadcast %reduce_min3A : i1 to vector<16xi1>
      %reduce_min3A_69 = arith.constant -2147483648 : i32
      %reduce_min3A_70 = vector.broadcast %reduce_min3A_69 : i32 to vector<16xi32>
      %reduce_min3A_71 = arith.xori %select_n3A, %reduce_min3A_70 : vector<16xi32>
      %reduce_min3A_72 = tpu.scan <min>, %reduce_min3A_71 masked %reduce_min3A_68 : vector<16xi32>, vector<16xi1> -> vector<16xi32>
      %reduce_min3A_73 = arith.xori %reduce_min3A_72, %reduce_min3A_70 : vector<16xi32>
      %reduce_min3A_74 = vector.extract %reduce_min3A_73[15] : i32 from vector<16xi32>
      %mul3A_75 = arith.constant 16 : i32
      %mul3A_76 = arith.muli %scan3A_58, %mul3A_75 : i32
      %sub3A = arith.subi %reduce_min3A_74, %mul3A_76 : i32
      %get3A_77 = arith.index_cast %multiple_of3A : i32 to index
      %get3A_78 = tpu.vector_load %arg15[%get3A_77] {strides = array<i32>} : memref<5120xi32, #tpu.memory_space<vmem>>, vector<16xi32>,
      %eq3A_79 = vector.broadcast %sub3A : i32 to vector<16xi32>
      %eq3A_80 = arith.cmpi eq, %iota3A, %eq3A_79 : vector<16xi32>
      %jit3A_81 = arith.constant 0 : i32
      %broadcast_in_dim3A_82 = vector.broadcast %jit3A_81 : i32 to vector<16xi32>
      %select_n3A_83 = arith.select %eq3A_80, %get3A_78, %broadcast_in_dim3A_82 : vector<16xi1>, vector<16xi32>
      %reduce_max3A = arith.constant true
      %reduce_max3A_84 = vector.broadcast %reduce_max3A : i1 to vector<16xi1>
      %reduce_max3A_85 = arith.constant -2147483648 : i32
      %reduce_max3A_86 = vector.broadcast %reduce_max3A_85 : i32 to vector<16xi32>
      %reduce_max3A_87 = arith.xori %select_n3A_83, %reduce_max3A_86 : vector<16xi32>
      %reduce_max3A_88 = tpu.scan <max>, %reduce_max3A_87 masked %reduce_max3A_84 : vector<16xi32>, vector<16xi1> -> vector<16xi32>
      %reduce_max3A_89 = arith.xori %reduce_max3A_88, %reduce_max3A_86 : vector<16xi32>
      %reduce_max3A_90 = vector.extract %reduce_max3A_89[15] : i32 from vector<16xi32>
      %get3A_91 = arith.index_cast %multiple_of3A : i32 to index
      %get3A_92 = tpu.vector_load %arg16[%get3A_91] {strides = array<i32>} : memref<5120xi32, #tpu.memory_space<vmem>>, vector<16xi32>,
      %eq3A_93 = vector.broadcast %sub3A : i32 to vector<16xi32>
      %eq3A_94 = arith.cmpi eq, %iota3A, %eq3A_93 : vector<16xi32>
      %jit3A_95 = arith.constant 0 : i32
      %broadcast_in_dim3A_96 = vector.broadcast %jit3A_95 : i32 to vector<16xi32>
      %select_n3A_97 = arith.select %eq3A_94, %get3A_92, %broadcast_in_dim3A_96 : vector<16xi1>, vector<16xi32>
      %reduce_max3A_98 = arith.constant true
      %reduce_max3A_99 = vector.broadcast %reduce_max3A_98 : i1 to vector<16xi1>
      %reduce_max3A_100 = arith.constant -2147483648 : i32
      %reduce_max3A_101 = vector.broadcast %reduce_max3A_100 : i32 to vector<16xi32>
      %reduce_max3A_102 = arith.xori %select_n3A_97, %reduce_max3A_101 : vector<16xi32>
      %reduce_max3A_103 = tpu.scan <max>, %reduce_max3A_102 masked %reduce_max3A_99 : vector<16xi32>, vector<16xi1> -> vector<16xi32>
      %reduce_max3A_104 = arith.xori %reduce_max3A_103, %reduce_max3A_101 : vector<16xi32>
      %reduce_max3A_105 = vector.extract %reduce_max3A_104[15] : i32 from vector<16xi32>
      %eq3A_106 = arith.constant 0 : i32
      %eq3A_107 = arith.cmpi eq, %reduce_max3A_90, %eq3A_106 : i32
      %convert_element_type3A = arith.extui %eq3A_107 : i1 to i32
      %cond3A = arith.constant 0 : i32
      %cond3A_108 = arith.cmpi ne, %convert_element_type3A, %cond3A : i32
      %cond3A_109:2 = scf.if %cond3A_108 -> (f32, i32) {
        %add3A_217 = arith.constant 5120 : i32
        %add3A_218 = arith.addi %add3A_217, %multiple_of3A : i32
        %multiple_of3A_219 = tpu.assume_multiple %add3A_218, 16 : i32
        %get3A_220 = arith.index_cast %multiple_of3A_219 : i32 to index
        %get3A_221 = tpu.vector_load %arg9[%get3A_220] {strides = array<i32>} : memref<10240xf32, #tpu.memory_space<vmem>>, vector<16xf32>,
        %add3A_222 = arith.constant 5120 : i32
        %add3A_223 = arith.addi %add3A_222, %multiple_of3A : i32
        %multiple_of3A_224 = tpu.assume_multiple %add3A_223, 16 : i32
        %get3A_225 = arith.index_cast %multiple_of3A_224 : i32 to index
        %get3A_226 = tpu.vector_load %arg10[%get3A_225] {strides = array<i32>} : memref<10240xi32, #tpu.memory_space<vmem>>, vector<16xi32>,
        %eq3A_227 = vector.broadcast %sub3A : i32 to vector<16xi32>
        %eq3A_228 = arith.cmpi eq, %iota3A, %eq3A_227 : vector<16xi32>
        %jit3A_229 = arith.constant -2.000000e+00 : f32
        %broadcast_in_dim3A_230 = vector.broadcast %jit3A_229 : f32 to vector<16xf32>
        %select_n3A_231 = arith.select %eq3A_228, %get3A_221, %broadcast_in_dim3A_230 : vector<16xi1>, vector<16xf32>
        %reduce_max3A_232 = arith.constant true
        %reduce_max3A_233 = vector.broadcast %reduce_max3A_232 : i1 to vector<16xi1>
        %reduce_max3A_234 = tpu.scan <max>, %select_n3A_231 masked %reduce_max3A_233 : vector<16xf32>, vector<16xi1> -> vector<16xf32>
        %reduce_max3A_235 = vector.extract %reduce_max3A_234[15] : f32 from vector<16xf32>
        %eq3A_236 = vector.broadcast %sub3A : i32 to vector<16xi32>
        %eq3A_237 = arith.cmpi eq, %iota3A, %eq3A_236 : vector<16xi32>
        %jit3A_238 = arith.constant 0 : i32
        %broadcast_in_dim3A_239 = vector.broadcast %jit3A_238 : i32 to vector<16xi32>
        %select_n3A_240 = arith.select %eq3A_237, %get3A_226, %broadcast_in_dim3A_239 : vector<16xi1>, vector<16xi32>
        %reduce_max3A_241 = arith.constant true
        %reduce_max3A_242 = vector.broadcast %reduce_max3A_241 : i1 to vector<16xi1>
        %reduce_max3A_243 = arith.constant -2147483648 : i32
        %reduce_max3A_244 = vector.broadcast %reduce_max3A_243 : i32 to vector<16xi32>
        %reduce_max3A_245 = arith.xori %select_n3A_240, %reduce_max3A_244 : vector<16xi32>
        %reduce_max3A_246 = tpu.scan <max>, %reduce_max3A_245 masked %reduce_max3A_242 : vector<16xi32>, vector<16xi1> -> vector<16xi32>
        %reduce_max3A_247 = arith.xori %reduce_max3A_246, %reduce_max3A_244 : vector<16xi32>
        %reduce_max3A_248 = vector.extract %reduce_max3A_247[15] : i32 from vector<16xi32>
        scf.yield %reduce_max3A_235, %reduce_max3A_248 : f32, i32
      } else {
        %mul3A_217 = arith.constant 5120 : i32
        %mul3A_218 = arith.muli %add3A, %mul3A_217 : i32
        %add3A_219 = arith.addi %mul3A_218, %reduce_min3A_74 : i32
        %mul3A_220 = arith.constant 256 : i32
        %mul3A_221 = arith.muli %add3A_219, %mul3A_220 : i32
        "tpu.region"() ({
          %run_scoped3A = tpu.sem_alloc : memref<!tpu.dma_semaphore, #tpu.memory_space<semaphore_mem>>
          %dma_start3A = tpu.memref_slice %arg4[%mul3A_221] : memref<41943040xf32, #tpu.memory_space<hbm>> -> memref<256xf32, #tpu.memory_space<hbm>>
          %dma_start3A_236 = tpu.memref_slice %arg4[%mul3A_221] : memref<41943040xf32, #tpu.memory_space<hbm>> -> memref<256xf32, #tpu.memory_space<hbm>>
          tpu.enqueue_dma source(%dma_start3A_236 : memref<256xf32, #tpu.memory_space<hbm>>) target(%arg11 : memref<256xf32, #tpu.memory_space<vmem>>) target_semaphore(%run_scoped3A : memref<!tpu.dma_semaphore, #tpu.memory_space<semaphore_mem>>)
          %dma_wait3A = tpu.memref_slice %arg4[%mul3A_221] : memref<41943040xf32, #tpu.memory_space<hbm>> -> memref<256xf32, #tpu.memory_space<hbm>>
          %dma_wait3A_237 = tpu.memref_slice %arg4[%mul3A_221] : memref<41943040xf32, #tpu.memory_space<hbm>> -> memref<256xf32, #tpu.memory_space<hbm>>
          tpu.wait_dma2 semaphore(%run_scoped3A : memref<!tpu.dma_semaphore, #tpu.memory_space<semaphore_mem>>) src(%dma_wait3A_237 : memref<256xf32, #tpu.memory_space<hbm>>) dst(%arg11 : memref<256xf32, #tpu.memory_space<vmem>>)
          tpu.yield
        }) : () -> ()
        %scan3A_222 = arith.constant -2.000000e+00 : f32
        %scan3A_223 = arith.constant 0 : i32
        %scan3A_224 = arith.constant 16 : i32
        %scan3A_225 = arith.addi %scan3A_223, %scan3A_224 : i32
        %scan3A_226 = arith.constant 1 : i32
        %scan3A_227 = scf.for %scan3A_236 = %scan3A_223 to %scan3A_225 step %scan3A_226 iter_args(%scan3A_237 = %scan3A_222) -> (f32)  : i32 {
          %mul3A_238 = arith.constant 16 : i32
          %mul3A_239 = arith.muli %scan3A_236, %mul3A_238 : i32
          %multiple_of3A_240 = tpu.assume_multiple %mul3A_239, 16 : i32
          %get3A_241 = arith.index_cast %multiple_of3A_240 : i32 to index
          %get3A_242 = tpu.vector_load %arg11[%get3A_241] {strides = array<i32>} : memref<256xf32, #tpu.memory_space<vmem>>, vector<16xf32>,
          %mul3A_243 = arith.constant 16 : i32
          %mul3A_244 = arith.muli %scan3A_236, %mul3A_243 : i32
          %add3A_245 = vector.broadcast %mul3A_244 : i32 to vector<16xi32>
          %add3A_246 = arith.addi %iota3A, %add3A_245 : vector<16xi32>
          %lt3A = vector.broadcast %scan3A_51 : f32 to vector<16xf32>
          %lt3A_247 = arith.cmpf olt, %get3A_242, %lt3A : vector<16xf32>
          %eq3A_248 = vector.broadcast %scan3A_51 : f32 to vector<16xf32>
          %eq3A_249 = arith.cmpf oeq, %get3A_242, %eq3A_248 : vector<16xf32>
          %gt3A = vector.broadcast %reduce_max3A_105 : i32 to vector<16xi32>
          %gt3A_250 = arith.cmpi sgt, %add3A_246, %gt3A : vector<16xi32>
          %and3A_251 = arith.andi %eq3A_249, %gt3A_250 : vector<16xi1>
          %or3A = arith.ori %lt3A_247, %and3A_251 : vector<16xi1>
          %jit3A_252 = arith.constant -2.000000e+00 : f32
          %broadcast_in_dim3A_253 = vector.broadcast %jit3A_252 : f32 to vector<16xf32>
          %select_n3A_254 = arith.select %or3A, %get3A_242, %broadcast_in_dim3A_253 : vector<16xi1>, vector<16xf32>
          %reduce_max3A_255 = arith.constant true
          %reduce_max3A_256 = vector.broadcast %reduce_max3A_255 : i1 to vector<16xi1>
          %reduce_max3A_257 = tpu.scan <max>, %select_n3A_254 masked %reduce_max3A_256 : vector<16xf32>, vector<16xi1> -> vector<16xf32>
          %reduce_max3A_258 = vector.extract %reduce_max3A_257[15] : f32 from vector<16xf32>
          %max3A = arith.maximumf %scan3A_237, %reduce_max3A_258 : f32
          scf.yield %max3A : f32
        }
        %scan3A_228 = arith.constant 16 : i32
        %scan3A_229 = arith.constant 1073741824 : i32
        %scan3A_230 = arith.constant 0 : i32
        %scan3A_231 = arith.constant 16 : i32
        %scan3A_232 = arith.addi %scan3A_230, %scan3A_231 : i32
        %scan3A_233 = arith.constant 1 : i32
        %scan3A_234 = scf.for %scan3A_236 = %scan3A_230 to %scan3A_232 step %scan3A_233 iter_args(%scan3A_237 = %scan3A_229) -> (i32)  : i32 {
          %mul3A_238 = arith.constant 16 : i32
          %mul3A_239 = arith.muli %scan3A_236, %mul3A_238 : i32
          %multiple_of3A_240 = tpu.assume_multiple %mul3A_239, 16 : i32
          %get3A_241 = arith.index_cast %multiple_of3A_240 : i32 to index
          %get3A_242 = tpu.vector_load %arg11[%get3A_241] {strides = array<i32>} : memref<256xf32, #tpu.memory_space<vmem>>, vector<16xf32>,
          %mul3A_243 = arith.constant 16 : i32
          %mul3A_244 = arith.muli %scan3A_236, %mul3A_243 : i32
          %add3A_245 = vector.broadcast %mul3A_244 : i32 to vector<16xi32>
          %add3A_246 = arith.addi %iota3A, %add3A_245 : vector<16xi32>
          %lt3A = vector.broadcast %scan3A_51 : f32 to vector<16xf32>
          %lt3A_247 = arith.cmpf olt, %get3A_242, %lt3A : vector<16xf32>
          %eq3A_248 = vector.broadcast %scan3A_51 : f32 to vector<16xf32>
          %eq3A_249 = arith.cmpf oeq, %get3A_242, %eq3A_248 : vector<16xf32>
          %gt3A = vector.broadcast %reduce_max3A_105 : i32 to vector<16xi32>
          %gt3A_250 = arith.cmpi sgt, %add3A_246, %gt3A : vector<16xi32>
          %and3A_251 = arith.andi %eq3A_249, %gt3A_250 : vector<16xi1>
          %or3A = arith.ori %lt3A_247, %and3A_251 : vector<16xi1>
          %eq3A_252 = vector.broadcast %scan3A_227 : f32 to vector<16xf32>
          %eq3A_253 = arith.cmpf oeq, %get3A_242, %eq3A_252 : vector<16xf32>
          %and3A_254 = arith.andi %or3A, %eq3A_253 : vector<16xi1>
          %jit3A_255 = arith.constant 1073741824 : i32
          %broadcast_in_dim3A_256 = vector.broadcast %jit3A_255 : i32 to vector<16xi32>
          %select_n3A_257 = arith.select %and3A_254, %add3A_246, %broadcast_in_dim3A_256 : vector<16xi1>, vector<16xi32>
          %reduce_min3A_258 = arith.constant true
          %reduce_min3A_259 = vector.broadcast %reduce_min3A_258 : i1 to vector<16xi1>
          %reduce_min3A_260 = arith.constant -2147483648 : i32
          %reduce_min3A_261 = vector.broadcast %reduce_min3A_260 : i32 to vector<16xi32>
          %reduce_min3A_262 = arith.xori %select_n3A_257, %reduce_min3A_261 : vector<16xi32>
          %reduce_min3A_263 = tpu.scan <min>, %reduce_min3A_262 masked %reduce_min3A_259 : vector<16xi32>, vector<16xi1> -> vector<16xi32>
          %reduce_min3A_264 = arith.xori %reduce_min3A_263, %reduce_min3A_261 : vector<16xi32>
          %reduce_min3A_265 = vector.extract %reduce_min3A_264[15] : i32 from vector<16xi32>
          %min3A = arith.minsi %scan3A_237, %reduce_min3A_265 : i32
          scf.yield %min3A : i32
        }
        %scan3A_235 = arith.constant 16 : i32
        scf.yield %scan3A_227, %scan3A_234 : f32, i32
      }
      %eq3A_110 = vector.broadcast %sub3A : i32 to vector<16xi32>
      %eq3A_111 = arith.cmpi eq, %iota3A, %eq3A_110 : vector<16xi32>
      %broadcast_in_dim3A_112 = vector.broadcast %cond3A_109#0 : f32 to vector<16xf32>
      %select_n3A_113 = arith.select %eq3A_111, %broadcast_in_dim3A_112, %get3A_62 : vector<16xi1>, vector<16xf32>
      %swap3A = arith.index_cast %multiple_of3A : i32 to index
      %swap3A_114 = tpu.vector_load %arg13[%swap3A] {strides = array<i32>} : memref<5120xf32, #tpu.memory_space<vmem>>, vector<16xf32>,
      tpu.vector_store %arg13[%swap3A], %select_n3A_113 {strides = array<i32>} : memref<5120xf32, #tpu.memory_space<vmem>>, vector<16xf32>,
      %jit3A_115 = arith.constant 16 : i32
      %div3A = arith.divsi %scan3A_58, %jit3A_115 : i32
      %sign3A = arith.constant 0 : i32
      %sign3A_116 = arith.cmpi sgt, %scan3A_58, %sign3A : i32
      %sign3A_117 = arith.extui %sign3A_116 : i1 to i32
      %sign3A_118 = arith.constant 0 : i32
      %sign3A_119 = arith.cmpi slt, %scan3A_58, %sign3A_118 : i32
      %sign3A_120 = arith.extui %sign3A_119 : i1 to i32
      %sign3A_121 = arith.subi %sign3A_117, %sign3A_120 : i32
      %sign3A_122 = arith.constant 0 : i32
      %sign3A_123 = arith.cmpi sgt, %jit3A_115, %sign3A_122 : i32
      %sign3A_124 = arith.extui %sign3A_123 : i1 to i32
      %sign3A_125 = arith.constant 0 : i32
      %sign3A_126 = arith.cmpi slt, %jit3A_115, %sign3A_125 : i32
      %sign3A_127 = arith.extui %sign3A_126 : i1 to i32
      %sign3A_128 = arith.subi %sign3A_124, %sign3A_127 : i32
      %ne3A = arith.cmpi ne, %sign3A_121, %sign3A_128 : i32
      %rem3A = arith.remsi %scan3A_58, %jit3A_115 : i32
      %ne3A_129 = arith.constant 0 : i32
      %ne3A_130 = arith.cmpi ne, %rem3A, %ne3A_129 : i32
      %and3A = arith.andi %ne3A, %ne3A_130 : i1
      %sub3A_131 = arith.constant 1 : i32
      %sub3A_132 = arith.subi %div3A, %sub3A_131 : i32
      %select_n3A_133 = arith.select %and3A, %sub3A_132, %div3A : i32
      %mul3A_134 = arith.constant 16 : i32
      %mul3A_135 = arith.muli %select_n3A_133, %mul3A_134 : i32
      %multiple_of3A_136 = tpu.assume_multiple %mul3A_135, 16 : i32
      %sub3A_137 = arith.subi %scan3A_58, %mul3A_135 : i32
      %eq3A_138 = vector.broadcast %sub3A_137 : i32 to vector<16xi32>
      %eq3A_139 = arith.cmpi eq, %iota3A, %eq3A_138 : vector<16xi32>
      %reduce_max3A_140 = arith.constant true
      %reduce_max3A_141 = vector.broadcast %reduce_max3A_140 : i1 to vector<16xi1>
      %reduce_max3A_142 = tpu.scan <max>, %select_n3A_113 masked %reduce_max3A_141 : vector<16xf32>, vector<16xi1> -> vector<16xf32>
      %reduce_max3A_143 = vector.extract %reduce_max3A_142[15] : f32 from vector<16xf32>
      %get3A_144 = arith.index_cast %multiple_of3A_136 : i32 to index
      %get3A_145 = tpu.vector_load %arg14[%get3A_144] {strides = array<i32>} : memref<320xf32, #tpu.memory_space<vmem>>, vector<16xf32>,
      %broadcast_in_dim3A_146 = vector.broadcast %reduce_max3A_143 : f32 to vector<16xf32>
      %select_n3A_147 = arith.select %eq3A_139, %broadcast_in_dim3A_146, %get3A_145 : vector<16xi1>, vector<16xf32>
      %swap3A_148 = arith.index_cast %multiple_of3A_136 : i32 to index
      %swap3A_149 = tpu.vector_load %arg14[%swap3A_148] {strides = array<i32>} : memref<320xf32, #tpu.memory_space<vmem>>, vector<16xf32>,
      tpu.vector_store %arg14[%swap3A_148], %select_n3A_147 {strides = array<i32>} : memref<320xf32, #tpu.memory_space<vmem>>, vector<16xf32>,
      %eq3A_150 = vector.broadcast %sub3A : i32 to vector<16xi32>
      %eq3A_151 = arith.cmpi eq, %iota3A, %eq3A_150 : vector<16xi32>
      %add3A_152 = arith.constant 1 : i32
      %add3A_153 = arith.addi %reduce_max3A_90, %add3A_152 : i32
      %broadcast_in_dim3A_154 = vector.broadcast %add3A_153 : i32 to vector<16xi32>
      %select_n3A_155 = arith.select %eq3A_151, %broadcast_in_dim3A_154, %get3A_78 : vector<16xi1>, vector<16xi32>
      %swap3A_156 = arith.index_cast %multiple_of3A : i32 to index
      %swap3A_157 = tpu.vector_load %arg15[%swap3A_156] {strides = array<i32>} : memref<5120xi32, #tpu.memory_space<vmem>>, vector<16xi32>,
      tpu.vector_store %arg15[%swap3A_156], %select_n3A_155 {strides = array<i32>} : memref<5120xi32, #tpu.memory_space<vmem>>, vector<16xi32>,
      %eq3A_158 = vector.broadcast %sub3A : i32 to vector<16xi32>
      %eq3A_159 = arith.cmpi eq, %iota3A, %eq3A_158 : vector<16xi32>
      %broadcast_in_dim3A_160 = vector.broadcast %cond3A_109#1 : i32 to vector<16xi32>
      %select_n3A_161 = arith.select %eq3A_159, %broadcast_in_dim3A_160, %get3A_92 : vector<16xi1>, vector<16xi32>
      %swap3A_162 = arith.index_cast %multiple_of3A : i32 to index
      %swap3A_163 = tpu.vector_load %arg16[%swap3A_162] {strides = array<i32>} : memref<5120xi32, #tpu.memory_space<vmem>>, vector<16xi32>,
      tpu.vector_store %arg16[%swap3A_162], %select_n3A_161 {strides = array<i32>} : memref<5120xi32, #tpu.memory_space<vmem>>, vector<16xi32>,
      %jit3A_164 = arith.constant 16 : i32
      %div3A_165 = arith.divsi %scan3A_44, %jit3A_164 : i32
      %sign3A_166 = arith.constant 0 : i32
      %sign3A_167 = arith.cmpi sgt, %scan3A_44, %sign3A_166 : i32
      %sign3A_168 = arith.extui %sign3A_167 : i1 to i32
      %sign3A_169 = arith.constant 0 : i32
      %sign3A_170 = arith.cmpi slt, %scan3A_44, %sign3A_169 : i32
      %sign3A_171 = arith.extui %sign3A_170 : i1 to i32
      %sign3A_172 = arith.subi %sign3A_168, %sign3A_171 : i32
      %sign3A_173 = arith.constant 0 : i32
      %sign3A_174 = arith.cmpi sgt, %jit3A_164, %sign3A_173 : i32
      %sign3A_175 = arith.extui %sign3A_174 : i1 to i32
      %sign3A_176 = arith.constant 0 : i32
      %sign3A_177 = arith.cmpi slt, %jit3A_164, %sign3A_176 : i32
      %sign3A_178 = arith.extui %sign3A_177 : i1 to i32
      %sign3A_179 = arith.subi %sign3A_175, %sign3A_178 : i32
      %ne3A_180 = arith.cmpi ne, %sign3A_172, %sign3A_179 : i32
      %rem3A_181 = arith.remsi %scan3A_44, %jit3A_164 : i32
      %ne3A_182 = arith.constant 0 : i32
      %ne3A_183 = arith.cmpi ne, %rem3A_181, %ne3A_182 : i32
      %and3A_184 = arith.andi %ne3A_180, %ne3A_183 : i1
      %sub3A_185 = arith.constant 1 : i32
      %sub3A_186 = arith.subi %div3A_165, %sub3A_185 : i32
      %select_n3A_187 = arith.select %and3A_184, %sub3A_186, %div3A_165 : i32
      %mul3A_188 = arith.constant 16 : i32
      %mul3A_189 = arith.muli %select_n3A_187, %mul3A_188 : i32
      %multiple_of3A_190 = tpu.assume_multiple %mul3A_189, 16 : i32
      %sub3A_191 = arith.subi %scan3A_44, %mul3A_189 : i32
      %eq3A_192 = vector.broadcast %sub3A_191 : i32 to vector<16xi32>
      %eq3A_193 = arith.cmpi eq, %iota3A, %eq3A_192 : vector<16xi32>
      %get3A_194 = arith.index_cast %multiple_of3A_190 : i32 to index
      %get3A_195 = tpu.vector_load %arg17[%get3A_194] {strides = array<i32>} : memref<304xf32, #tpu.memory_space<vmem>>, vector<16xf32>,
      %broadcast_in_dim3A_196 = vector.broadcast %scan3A_51 : f32 to vector<16xf32>
      %select_n3A_197 = arith.select %eq3A_193, %broadcast_in_dim3A_196, %get3A_195 : vector<16xi1>, vector<16xf32>
      %swap3A_198 = arith.index_cast %multiple_of3A_190 : i32 to index
      %swap3A_199 = tpu.vector_load %arg17[%swap3A_198] {strides = array<i32>} : memref<304xf32, #tpu.memory_space<vmem>>, vector<16xf32>,
      tpu.vector_store %arg17[%swap3A_198], %select_n3A_197 {strides = array<i32>} : memref<304xf32, #tpu.memory_space<vmem>>, vector<16xf32>,
      %eq3A_200 = vector.broadcast %sub3A_191 : i32 to vector<16xi32>
      %eq3A_201 = arith.cmpi eq, %iota3A, %eq3A_200 : vector<16xi32>
      %get3A_202 = arith.index_cast %multiple_of3A_190 : i32 to index
      %get3A_203 = tpu.vector_load %arg18[%get3A_202] {strides = array<i32>} : memref<304xi32, #tpu.memory_space<vmem>>, vector<16xi32>,
      %broadcast_in_dim3A_204 = vector.broadcast %reduce_max3A_105 : i32 to vector<16xi32>
      %select_n3A_205 = arith.select %eq3A_201, %broadcast_in_dim3A_204, %get3A_203 : vector<16xi1>, vector<16xi32>
      %swap3A_206 = arith.index_cast %multiple_of3A_190 : i32 to index
      %swap3A_207 = tpu.vector_load %arg18[%swap3A_206] {strides = array<i32>} : memref<304xi32, #tpu.memory_space<vmem>>, vector<16xi32>,
      tpu.vector_store %arg18[%swap3A_206], %select_n3A_205 {strides = array<i32>} : memref<304xi32, #tpu.memory_space<vmem>>, vector<16xi32>,
      %eq3A_208 = vector.broadcast %sub3A_191 : i32 to vector<16xi32>
      %eq3A_209 = arith.cmpi eq, %iota3A, %eq3A_208 : vector<16xi32>
      %get3A_210 = arith.index_cast %multiple_of3A_190 : i32 to index
      %get3A_211 = tpu.vector_load %arg19[%get3A_210] {strides = array<i32>} : memref<304xi32, #tpu.memory_space<vmem>>, vector<16xi32>,
      %broadcast_in_dim3A_212 = vector.broadcast %reduce_min3A_74 : i32 to vector<16xi32>
      %select_n3A_213 = arith.select %eq3A_209, %broadcast_in_dim3A_212, %get3A_211 : vector<16xi1>, vector<16xi32>
      %swap3A_214 = arith.index_cast %multiple_of3A_190 : i32 to index
      %swap3A_215 = tpu.vector_load %arg19[%swap3A_214] {strides = array<i32>} : memref<304xi32, #tpu.memory_space<vmem>>, vector<16xi32>,
      tpu.vector_store %arg19[%swap3A_214], %select_n3A_213 {strides = array<i32>} : memref<304xi32, #tpu.memory_space<vmem>>, vector<16xi32>,
      %scan3A_216 = arith.constant 0 : i32
      scf.yield %scan3A_216 : i32
    }
    %scan3A_28 = arith.constant 300 : i32
    %scan3A_29 = arith.constant 0 : i32
    %scan3A_30 = arith.constant 0 : i32
    %scan3A_31 = arith.constant 76 : i32
    %scan3A_32 = arith.addi %scan3A_30, %scan3A_31 : i32
    %scan3A_33 = arith.constant 1 : i32
    %scan3A_34 = scf.for %scan3A_44 = %scan3A_30 to %scan3A_32 step %scan3A_33 iter_args(%scan3A_45 = %scan3A_29) -> (i32)  : i32 {
      %mul3A_46 = arith.constant 4 : i32
      %mul3A_47 = arith.muli %scan3A_44, %mul3A_46 : i32
      %jit3A = arith.constant 4 : i32
      %div3A = vector.broadcast %jit3A : i32 to vector<16xi32>
      %div3A_48 = arith.divsi %iota3A, %div3A : vector<16xi32>
      %sign3A = arith.constant 0 : i32
      %sign3A_49 = vector.broadcast %sign3A : i32 to vector<16xi32>
      %sign3A_50 = arith.cmpi sgt, %iota3A, %sign3A_49 : vector<16xi32>
      %sign3A_51 = arith.extui %sign3A_50 : vector<16xi1> to vector<16xi32>
      %sign3A_52 = arith.constant 0 : i32
      %sign3A_53 = vector.broadcast %sign3A_52 : i32 to vector<16xi32>
      %sign3A_54 = arith.cmpi slt, %iota3A, %sign3A_53 : vector<16xi32>
      %sign3A_55 = arith.extui %sign3A_54 : vector<16xi1> to vector<16xi32>
      %sign3A_56 = arith.subi %sign3A_51, %sign3A_55 : vector<16xi32>
      %sign3A_57 = arith.constant 0 : i32
      %sign3A_58 = arith.cmpi sgt, %jit3A, %sign3A_57 : i32
      %sign3A_59 = arith.extui %sign3A_58 : i1 to i32
      %sign3A_60 = arith.constant 0 : i32
      %sign3A_61 = arith.cmpi slt, %jit3A, %sign3A_60 : i32
      %sign3A_62 = arith.extui %sign3A_61 : i1 to i32
      %sign3A_63 = arith.subi %sign3A_59, %sign3A_62 : i32
      %ne3A = vector.broadcast %sign3A_63 : i32 to vector<16xi32>
      %ne3A_64 = arith.cmpi ne, %sign3A_56, %ne3A : vector<16xi32>
      %rem3A = vector.broadcast %jit3A : i32 to vector<16xi32>
      %rem3A_65 = arith.remsi %iota3A, %rem3A : vector<16xi32>
      %ne3A_66 = arith.constant 0 : i32
      %ne3A_67 = vector.broadcast %ne3A_66 : i32 to vector<16xi32>
      %ne3A_68 = arith.cmpi ne, %rem3A_65, %ne3A_67 : vector<16xi32>
      %and3A = arith.andi %ne3A_64, %ne3A_68 : vector<16xi1>
      %sub3A = arith.constant 1 : i32
      %sub3A_69 = vector.broadcast %sub3A : i32 to vector<16xi32>
      %sub3A_70 = arith.subi %div3A_48, %sub3A_69 : vector<16xi32>
      %select_n3A = arith.select %and3A, %sub3A_70, %div3A_48 : vector<16xi1>, vector<16xi32>
      %add3A_71 = vector.broadcast %mul3A_47 : i32 to vector<16xi32>
      %add3A_72 = arith.addi %add3A_71, %select_n3A : vector<16xi32>
      %gather3A = tpu.vector_load_idx %arg19[%add3A_72] : memref<304xi32, #tpu.memory_space<vmem>>[vector<16xi32>], vector<16xi32>,
      %mul3A_73 = arith.constant 4 : i32
      %mul3A_74 = vector.broadcast %mul3A_73 : i32 to vector<16xi32>
      %mul3A_75 = arith.muli %gather3A, %mul3A_74 : vector<16xi32>
      %jit3A_76 = arith.constant 4 : i32
      %eq3A = arith.constant 0 : i32
      %eq3A_77 = arith.cmpi eq, %jit3A_76, %eq3A : i32
      %jit3A_78 = arith.constant 1 : i32
      %select_n3A_79 = arith.select %eq3A_77, %jit3A_78, %jit3A_76 : i32
      %rem3A_80 = vector.broadcast %select_n3A_79 : i32 to vector<16xi32>
      %rem3A_81 = arith.remsi %iota3A, %rem3A_80 : vector<16xi32>
      %ne3A_82 = arith.constant 0 : i32
      %ne3A_83 = vector.broadcast %ne3A_82 : i32 to vector<16xi32>
      %ne3A_84 = arith.cmpi ne, %rem3A_81, %ne3A_83 : vector<16xi32>
      %lt3A = arith.constant 0 : i32
      %lt3A_85 = vector.broadcast %lt3A : i32 to vector<16xi32>
      %lt3A_86 = arith.cmpi slt, %rem3A_81, %lt3A_85 : vector<16xi32>
      %lt3A_87 = arith.constant 0 : i32
      %lt3A_88 = arith.cmpi slt, %select_n3A_79, %lt3A_87 : i32
      %ne3A_89 = vector.broadcast %lt3A_88 : i1 to vector<16xi1>
      %ne3A_90 = vector.broadcast %ne3A_89 : vector<16xi1> to vector<16xi1>
      %ne3A_91 = arith.xori %lt3A_86, %ne3A_90 : vector<16xi1>
      %and3A_92 = arith.andi %ne3A_91, %ne3A_84 : vector<16xi1>
      %add3A_93 = vector.broadcast %select_n3A_79 : i32 to vector<16xi32>
      %add3A_94 = arith.addi %rem3A_81, %add3A_93 : vector<16xi32>
      %select_n3A_95 = arith.select %and3A_92, %add3A_94, %rem3A_81 : vector<16xi1>, vector<16xi32>
      %add3A_96 = arith.addi %mul3A_75, %select_n3A_95 : vector<16xi32>
      %gather3A_97 = tpu.vector_load_idx %arg12[%add3A_96] : memref<20000xf32, #tpu.memory_space<vmem>>[vector<16xi32>], vector<16xf32>,
      %mul3A_98 = arith.constant 16 : i32
      %mul3A_99 = arith.muli %scan3A_44, %mul3A_98 : i32
      %multiple_of3A = tpu.assume_multiple %mul3A_99, 16 : i32
      %swap3A = arith.index_cast %multiple_of3A : i32 to index
      %swap3A_100 = tpu.vector_load %arg20[%swap3A] {strides = array<i32>} : memref<1216xf32, #tpu.memory_space<vmem>>, vector<16xf32>,
      tpu.vector_store %arg20[%swap3A], %gather3A_97 {strides = array<i32>} : memref<1216xf32, #tpu.memory_space<vmem>>, vector<16xf32>,
      %scan3A_101 = arith.constant 0 : i32
      scf.yield %scan3A_101 : i32
    }
    %scan3A_35 = arith.constant 76 : i32
    %mul3A_36 = arith.constant 304 : i32
    %mul3A_37 = arith.muli %add3A, %mul3A_36 : i32
    "tpu.region"() ({
      %run_scoped3A = tpu.sem_alloc : memref<!tpu.dma_semaphore, #tpu.memory_space<semaphore_mem>>
      %dma_start3A = tpu.memref_slice %arg6[%mul3A_37] : memref<9728xf32, #tpu.memory_space<hbm>> -> memref<304xf32, #tpu.memory_space<hbm>>
      %dma_start3A_44 = tpu.memref_slice %arg6[%mul3A_37] : memref<9728xf32, #tpu.memory_space<hbm>> -> memref<304xf32, #tpu.memory_space<hbm>>
      tpu.enqueue_dma source(%arg17 : memref<304xf32, #tpu.memory_space<vmem>>) target(%dma_start3A_44 : memref<304xf32, #tpu.memory_space<hbm>>) target_semaphore(%run_scoped3A : memref<!tpu.dma_semaphore, #tpu.memory_space<semaphore_mem>>)
      %dma_wait3A = tpu.memref_slice %arg6[%mul3A_37] : memref<9728xf32, #tpu.memory_space<hbm>> -> memref<304xf32, #tpu.memory_space<hbm>>
      %dma_wait3A_45 = tpu.memref_slice %arg6[%mul3A_37] : memref<9728xf32, #tpu.memory_space<hbm>> -> memref<304xf32, #tpu.memory_space<hbm>>
      tpu.wait_dma2 semaphore(%run_scoped3A : memref<!tpu.dma_semaphore, #tpu.memory_space<semaphore_mem>>) src(%arg17 : memref<304xf32, #tpu.memory_space<vmem>>) dst(%dma_wait3A_45 : memref<304xf32, #tpu.memory_space<hbm>>)
      tpu.yield
    }) : () -> ()
    %mul3A_38 = arith.constant 304 : i32
    %mul3A_39 = arith.muli %add3A, %mul3A_38 : i32
    "tpu.region"() ({
      %run_scoped3A = tpu.sem_alloc : memref<!tpu.dma_semaphore, #tpu.memory_space<semaphore_mem>>
      %dma_start3A = tpu.memref_slice %arg7[%mul3A_39] : memref<9728xi32, #tpu.memory_space<hbm>> -> memref<304xi32, #tpu.memory_space<hbm>>
      %dma_start3A_44 = tpu.memref_slice %arg7[%mul3A_39] : memref<9728xi32, #tpu.memory_space<hbm>> -> memref<304xi32, #tpu.memory_space<hbm>>
      tpu.enqueue_dma source(%arg18 : memref<304xi32, #tpu.memory_space<vmem>>) target(%dma_start3A_44 : memref<304xi32, #tpu.memory_space<hbm>>) target_semaphore(%run_scoped3A : memref<!tpu.dma_semaphore, #tpu.memory_space<semaphore_mem>>)
      %dma_wait3A = tpu.memref_slice %arg7[%mul3A_39] : memref<9728xi32, #tpu.memory_space<hbm>> -> memref<304xi32, #tpu.memory_space<hbm>>
      %dma_wait3A_45 = tpu.memref_slice %arg7[%mul3A_39] : memref<9728xi32, #tpu.memory_space<hbm>> -> memref<304xi32, #tpu.memory_space<hbm>>
      tpu.wait_dma2 semaphore(%run_scoped3A : memref<!tpu.dma_semaphore, #tpu.memory_space<semaphore_mem>>) src(%arg18 : memref<304xi32, #tpu.memory_space<vmem>>) dst(%dma_wait3A_45 : memref<304xi32, #tpu.memory_space<hbm>>)
      tpu.yield
    }) : () -> ()
    %mul3A_40 = arith.constant 304 : i32
    %mul3A_41 = arith.muli %add3A, %mul3A_40 : i32
    %mul3A_42 = arith.constant 4 : i32
    %mul3A_43 = arith.muli %mul3A_41, %mul3A_42 : i32
    "tpu.region"() ({
      %run_scoped3A = tpu.sem_alloc : memref<!tpu.dma_semaphore, #tpu.memory_space<semaphore_mem>>
      %dma_start3A = tpu.memref_slice %arg8[%mul3A_43] : memref<38912xf32, #tpu.memory_space<hbm>> -> memref<1216xf32, #tpu.memory_space<hbm>>
      %dma_start3A_44 = tpu.memref_slice %arg8[%mul3A_43] : memref<38912xf32, #tpu.memory_space<hbm>> -> memref<1216xf32, #tpu.memory_space<hbm>>
      tpu.enqueue_dma source(%arg20 : memref<1216xf32, #tpu.memory_space<vmem>>) target(%dma_start3A_44 : memref<1216xf32, #tpu.memory_space<hbm>>) target_semaphore(%run_scoped3A : memref<!tpu.dma_semaphore, #tpu.memory_space<semaphore_mem>>)
      %dma_wait3A = tpu.memref_slice %arg8[%mul3A_43] : memref<38912xf32, #tpu.memory_space<hbm>> -> memref<1216xf32, #tpu.memory_space<hbm>>
      %dma_wait3A_45 = tpu.memref_slice %arg8[%mul3A_43] : memref<38912xf32, #tpu.memory_space<hbm>> -> memref<1216xf32, #tpu.memory_space<hbm>>
      tpu.wait_dma2 semaphore(%run_scoped3A : memref<!tpu.dma_semaphore, #tpu.memory_space<semaphore_mem>>) src(%arg20 : memref<1216xf32, #tpu.memory_space<vmem>>) dst(%dma_wait3A_45 : memref<1216xf32, #tpu.memory_space<hbm>>)
      tpu.yield
    }) : () -> ()
    return
  }
}

module attributes {stable_mosaic.version = 14 : i64} {
  func.func @_lists_kernel(%arg0: i32, %arg1: memref<1x5000x256xf32, #tpu.memory_space<vmem>>, %arg2: memref<1x40x128x256xf32, #tpu.memory_space<vmem>>, %arg3: memref<1x2x40x128xf32, #tpu.memory_space<vmem>>, %arg4: memref<1x2x40x128xi32, #tpu.memory_space<vmem>>) attributes {dimension_semantics = [#tpu.dimension_semantics<arbitrary>], iteration_bounds = array<i64: 32>, scalar_prefetch = 0 : i64, scratch_operands = 0 : i64, tpu.core_type = #tpu.core_type<tc>, window_params = [{transform_indices = @transform_0, window_bounds = array<i64: 1, 5000, 256>}, {transform_indices = @transform_1, window_bounds = array<i64: 1, 40, 128, 256>}, {transform_indices = @transform_2, window_bounds = array<i64: 1, 2, 40, 128>}, {transform_indices = @transform_3, window_bounds = array<i64: 1, 2, 40, 128>}]} {
    %get3A = arith.constant 0 : index
    %get3A_0 = arith.constant 0 : index
    %get3A_1 = arith.constant 0 : index
    %get3A_2 = vector.load %arg1[%get3A, %get3A_0, %get3A_1] : memref<1x5000x256xf32, #tpu.memory_space<vmem>>, vector<1x128x256xf32>
    %get3A_3 = vector.shape_cast %get3A_2 : vector<1x128x256xf32> to vector<128x256xf32>
    %logistic3A = arith.negf %get3A_3 : vector<128x256xf32>
    %logistic3A_4 = math.exp %logistic3A : vector<128x256xf32>
    %logistic3A_5 = arith.constant 1.000000e+00 : f32
    %logistic3A_6 = vector.broadcast %logistic3A_5 : f32 to vector<128x256xf32>
    %logistic3A_7 = arith.addf %logistic3A_6, %logistic3A_4 : vector<128x256xf32>
    %logistic3A_8 = arith.divf %logistic3A_6, %logistic3A_7 : vector<128x256xf32>
    %swap3A = arith.constant 0 : index
    %swap3A_9 = arith.constant 0 : index
    %swap3A_10 = arith.constant 0 : index
    %swap3A_11 = arith.constant 0 : index
    %swap3A_12 = vector.load %arg2[%swap3A, %swap3A_9, %swap3A_10, %swap3A_11] : memref<1x40x128x256xf32, #tpu.memory_space<vmem>>, vector<1x1x128x256xf32>
    %swap3A_13 = vector.shape_cast %swap3A_12 : vector<1x1x128x256xf32> to vector<128x256xf32>
    %swap3A_14 = vector.shape_cast %logistic3A_8 : vector<128x256xf32> to vector<1x1x128x256xf32>
    tpu.vector_store %arg2[%swap3A, %swap3A_9, %swap3A_10, %swap3A_11], %swap3A_14 {strides = array<i32>} : memref<1x40x128x256xf32, #tpu.memory_space<vmem>>, vector<1x1x128x256xf32>,
    %get3A_15 = arith.constant 0 : index
    %get3A_16 = arith.constant 128 : index
    %get3A_17 = arith.constant 0 : index
    %get3A_18 = vector.load %arg1[%get3A_15, %get3A_16, %get3A_17] : memref<1x5000x256xf32, #tpu.memory_space<vmem>>, vector<1x128x256xf32>
    %get3A_19 = vector.shape_cast %get3A_18 : vector<1x128x256xf32> to vector<128x256xf32>
    %logistic3A_20 = arith.negf %get3A_19 : vector<128x256xf32>
    %logistic3A_21 = math.exp %logistic3A_20 : vector<128x256xf32>
    %logistic3A_22 = arith.constant 1.000000e+00 : f32
    %logistic3A_23 = vector.broadcast %logistic3A_22 : f32 to vector<128x256xf32>
    %logistic3A_24 = arith.addf %logistic3A_23, %logistic3A_21 : vector<128x256xf32>
    %logistic3A_25 = arith.divf %logistic3A_23, %logistic3A_24 : vector<128x256xf32>
    %swap3A_26 = arith.constant 0 : index
    %swap3A_27 = arith.constant 1 : index
    %swap3A_28 = arith.constant 0 : index
    %swap3A_29 = arith.constant 0 : index
    %swap3A_30 = vector.load %arg2[%swap3A_26, %swap3A_27, %swap3A_28, %swap3A_29] : memref<1x40x128x256xf32, #tpu.memory_space<vmem>>, vector<1x1x128x256xf32>
    %swap3A_31 = vector.shape_cast %swap3A_30 : vector<1x1x128x256xf32> to vector<128x256xf32>
    %swap3A_32 = vector.shape_cast %logistic3A_25 : vector<128x256xf32> to vector<1x1x128x256xf32>
    tpu.vector_store %arg2[%swap3A_26, %swap3A_27, %swap3A_28, %swap3A_29], %swap3A_32 {strides = array<i32>} : memref<1x40x128x256xf32, #tpu.memory_space<vmem>>, vector<1x1x128x256xf32>,
    %get3A_33 = arith.constant 0 : index
    %get3A_34 = arith.constant 256 : index
    %get3A_35 = arith.constant 0 : index
    %get3A_36 = vector.load %arg1[%get3A_33, %get3A_34, %get3A_35] : memref<1x5000x256xf32, #tpu.memory_space<vmem>>, vector<1x128x256xf32>
    %get3A_37 = vector.shape_cast %get3A_36 : vector<1x128x256xf32> to vector<128x256xf32>
    %logistic3A_38 = arith.negf %get3A_37 : vector<128x256xf32>
    %logistic3A_39 = math.exp %logistic3A_38 : vector<128x256xf32>
    %logistic3A_40 = arith.constant 1.000000e+00 : f32
    %logistic3A_41 = vector.broadcast %logistic3A_40 : f32 to vector<128x256xf32>
    %logistic3A_42 = arith.addf %logistic3A_41, %logistic3A_39 : vector<128x256xf32>
    %logistic3A_43 = arith.divf %logistic3A_41, %logistic3A_42 : vector<128x256xf32>
    %swap3A_44 = arith.constant 0 : index
    %swap3A_45 = arith.constant 2 : index
    %swap3A_46 = arith.constant 0 : index
    %swap3A_47 = arith.constant 0 : index
    %swap3A_48 = vector.load %arg2[%swap3A_44, %swap3A_45, %swap3A_46, %swap3A_47] : memref<1x40x128x256xf32, #tpu.memory_space<vmem>>, vector<1x1x128x256xf32>
    %swap3A_49 = vector.shape_cast %swap3A_48 : vector<1x1x128x256xf32> to vector<128x256xf32>
    %swap3A_50 = vector.shape_cast %logistic3A_43 : vector<128x256xf32> to vector<1x1x128x256xf32>
    tpu.vector_store %arg2[%swap3A_44, %swap3A_45, %swap3A_46, %swap3A_47], %swap3A_50 {strides = array<i32>} : memref<1x40x128x256xf32, #tpu.memory_space<vmem>>, vector<1x1x128x256xf32>,
    %get3A_51 = arith.constant 0 : index
    %get3A_52 = arith.constant 384 : index
    %get3A_53 = arith.constant 0 : index
    %get3A_54 = vector.load %arg1[%get3A_51, %get3A_52, %get3A_53] : memref<1x5000x256xf32, #tpu.memory_space<vmem>>, vector<1x128x256xf32>
    %get3A_55 = vector.shape_cast %get3A_54 : vector<1x128x256xf32> to vector<128x256xf32>
    %logistic3A_56 = arith.negf %get3A_55 : vector<128x256xf32>
    %logistic3A_57 = math.exp %logistic3A_56 : vector<128x256xf32>
    %logistic3A_58 = arith.constant 1.000000e+00 : f32
    %logistic3A_59 = vector.broadcast %logistic3A_58 : f32 to vector<128x256xf32>
    %logistic3A_60 = arith.addf %logistic3A_59, %logistic3A_57 : vector<128x256xf32>
    %logistic3A_61 = arith.divf %logistic3A_59, %logistic3A_60 : vector<128x256xf32>
    %swap3A_62 = arith.constant 0 : index
    %swap3A_63 = arith.constant 3 : index
    %swap3A_64 = arith.constant 0 : index
    %swap3A_65 = arith.constant 0 : index
    %swap3A_66 = vector.load %arg2[%swap3A_62, %swap3A_63, %swap3A_64, %swap3A_65] : memref<1x40x128x256xf32, #tpu.memory_space<vmem>>, vector<1x1x128x256xf32>
    %swap3A_67 = vector.shape_cast %swap3A_66 : vector<1x1x128x256xf32> to vector<128x256xf32>
    %swap3A_68 = vector.shape_cast %logistic3A_61 : vector<128x256xf32> to vector<1x1x128x256xf32>
    tpu.vector_store %arg2[%swap3A_62, %swap3A_63, %swap3A_64, %swap3A_65], %swap3A_68 {strides = array<i32>} : memref<1x40x128x256xf32, #tpu.memory_space<vmem>>, vector<1x1x128x256xf32>,
    %get3A_69 = arith.constant 0 : index
    %get3A_70 = arith.constant 512 : index
    %get3A_71 = arith.constant 0 : index
    %get3A_72 = vector.load %arg1[%get3A_69, %get3A_70, %get3A_71] : memref<1x5000x256xf32, #tpu.memory_space<vmem>>, vector<1x128x256xf32>
    %get3A_73 = vector.shape_cast %get3A_72 : vector<1x128x256xf32> to vector<128x256xf32>
    %logistic3A_74 = arith.negf %get3A_73 : vector<128x256xf32>
    %logistic3A_75 = math.exp %logistic3A_74 : vector<128x256xf32>
    %logistic3A_76 = arith.constant 1.000000e+00 : f32
    %logistic3A_77 = vector.broadcast %logistic3A_76 : f32 to vector<128x256xf32>
    %logistic3A_78 = arith.addf %logistic3A_77, %logistic3A_75 : vector<128x256xf32>
    %logistic3A_79 = arith.divf %logistic3A_77, %logistic3A_78 : vector<128x256xf32>
    %swap3A_80 = arith.constant 0 : index
    %swap3A_81 = arith.constant 4 : index
    %swap3A_82 = arith.constant 0 : index
    %swap3A_83 = arith.constant 0 : index
    %swap3A_84 = vector.load %arg2[%swap3A_80, %swap3A_81, %swap3A_82, %swap3A_83] : memref<1x40x128x256xf32, #tpu.memory_space<vmem>>, vector<1x1x128x256xf32>
    %swap3A_85 = vector.shape_cast %swap3A_84 : vector<1x1x128x256xf32> to vector<128x256xf32>
    %swap3A_86 = vector.shape_cast %logistic3A_79 : vector<128x256xf32> to vector<1x1x128x256xf32>
    tpu.vector_store %arg2[%swap3A_80, %swap3A_81, %swap3A_82, %swap3A_83], %swap3A_86 {strides = array<i32>} : memref<1x40x128x256xf32, #tpu.memory_space<vmem>>, vector<1x1x128x256xf32>,
    %get3A_87 = arith.constant 0 : index
    %get3A_88 = arith.constant 640 : index
    %get3A_89 = arith.constant 0 : index
    %get3A_90 = vector.load %arg1[%get3A_87, %get3A_88, %get3A_89] : memref<1x5000x256xf32, #tpu.memory_space<vmem>>, vector<1x128x256xf32>
    %get3A_91 = vector.shape_cast %get3A_90 : vector<1x128x256xf32> to vector<128x256xf32>
    %logistic3A_92 = arith.negf %get3A_91 : vector<128x256xf32>
    %logistic3A_93 = math.exp %logistic3A_92 : vector<128x256xf32>
    %logistic3A_94 = arith.constant 1.000000e+00 : f32
    %logistic3A_95 = vector.broadcast %logistic3A_94 : f32 to vector<128x256xf32>
    %logistic3A_96 = arith.addf %logistic3A_95, %logistic3A_93 : vector<128x256xf32>
    %logistic3A_97 = arith.divf %logistic3A_95, %logistic3A_96 : vector<128x256xf32>
    %swap3A_98 = arith.constant 0 : index
    %swap3A_99 = arith.constant 5 : index
    %swap3A_100 = arith.constant 0 : index
    %swap3A_101 = arith.constant 0 : index
    %swap3A_102 = vector.load %arg2[%swap3A_98, %swap3A_99, %swap3A_100, %swap3A_101] : memref<1x40x128x256xf32, #tpu.memory_space<vmem>>, vector<1x1x128x256xf32>
    %swap3A_103 = vector.shape_cast %swap3A_102 : vector<1x1x128x256xf32> to vector<128x256xf32>
    %swap3A_104 = vector.shape_cast %logistic3A_97 : vector<128x256xf32> to vector<1x1x128x256xf32>
    tpu.vector_store %arg2[%swap3A_98, %swap3A_99, %swap3A_100, %swap3A_101], %swap3A_104 {strides = array<i32>} : memref<1x40x128x256xf32, #tpu.memory_space<vmem>>, vector<1x1x128x256xf32>,
    %get3A_105 = arith.constant 0 : index
    %get3A_106 = arith.constant 768 : index
    %get3A_107 = arith.constant 0 : index
    %get3A_108 = vector.load %arg1[%get3A_105, %get3A_106, %get3A_107] : memref<1x5000x256xf32, #tpu.memory_space<vmem>>, vector<1x128x256xf32>
    %get3A_109 = vector.shape_cast %get3A_108 : vector<1x128x256xf32> to vector<128x256xf32>
    %logistic3A_110 = arith.negf %get3A_109 : vector<128x256xf32>
    %logistic3A_111 = math.exp %logistic3A_110 : vector<128x256xf32>
    %logistic3A_112 = arith.constant 1.000000e+00 : f32
    %logistic3A_113 = vector.broadcast %logistic3A_112 : f32 to vector<128x256xf32>
    %logistic3A_114 = arith.addf %logistic3A_113, %logistic3A_111 : vector<128x256xf32>
    %logistic3A_115 = arith.divf %logistic3A_113, %logistic3A_114 : vector<128x256xf32>
    %swap3A_116 = arith.constant 0 : index
    %swap3A_117 = arith.constant 6 : index
    %swap3A_118 = arith.constant 0 : index
    %swap3A_119 = arith.constant 0 : index
    %swap3A_120 = vector.load %arg2[%swap3A_116, %swap3A_117, %swap3A_118, %swap3A_119] : memref<1x40x128x256xf32, #tpu.memory_space<vmem>>, vector<1x1x128x256xf32>
    %swap3A_121 = vector.shape_cast %swap3A_120 : vector<1x1x128x256xf32> to vector<128x256xf32>
    %swap3A_122 = vector.shape_cast %logistic3A_115 : vector<128x256xf32> to vector<1x1x128x256xf32>
    tpu.vector_store %arg2[%swap3A_116, %swap3A_117, %swap3A_118, %swap3A_119], %swap3A_122 {strides = array<i32>} : memref<1x40x128x256xf32, #tpu.memory_space<vmem>>, vector<1x1x128x256xf32>,
    %get3A_123 = arith.constant 0 : index
    %get3A_124 = arith.constant 896 : index
    %get3A_125 = arith.constant 0 : index
    %get3A_126 = vector.load %arg1[%get3A_123, %get3A_124, %get3A_125] : memref<1x5000x256xf32, #tpu.memory_space<vmem>>, vector<1x128x256xf32>
    %get3A_127 = vector.shape_cast %get3A_126 : vector<1x128x256xf32> to vector<128x256xf32>
    %logistic3A_128 = arith.negf %get3A_127 : vector<128x256xf32>
    %logistic3A_129 = math.exp %logistic3A_128 : vector<128x256xf32>
    %logistic3A_130 = arith.constant 1.000000e+00 : f32
    %logistic3A_131 = vector.broadcast %logistic3A_130 : f32 to vector<128x256xf32>
    %logistic3A_132 = arith.addf %logistic3A_131, %logistic3A_129 : vector<128x256xf32>
    %logistic3A_133 = arith.divf %logistic3A_131, %logistic3A_132 : vector<128x256xf32>
    %swap3A_134 = arith.constant 0 : index
    %swap3A_135 = arith.constant 7 : index
    %swap3A_136 = arith.constant 0 : index
    %swap3A_137 = arith.constant 0 : index
    %swap3A_138 = vector.load %arg2[%swap3A_134, %swap3A_135, %swap3A_136, %swap3A_137] : memref<1x40x128x256xf32, #tpu.memory_space<vmem>>, vector<1x1x128x256xf32>
    %swap3A_139 = vector.shape_cast %swap3A_138 : vector<1x1x128x256xf32> to vector<128x256xf32>
    %swap3A_140 = vector.shape_cast %logistic3A_133 : vector<128x256xf32> to vector<1x1x128x256xf32>
    tpu.vector_store %arg2[%swap3A_134, %swap3A_135, %swap3A_136, %swap3A_137], %swap3A_140 {strides = array<i32>} : memref<1x40x128x256xf32, #tpu.memory_space<vmem>>, vector<1x1x128x256xf32>,
    %get3A_141 = arith.constant 0 : index
    %get3A_142 = arith.constant 1024 : index
    %get3A_143 = arith.constant 0 : index
    %get3A_144 = vector.load %arg1[%get3A_141, %get3A_142, %get3A_143] : memref<1x5000x256xf32, #tpu.memory_space<vmem>>, vector<1x128x256xf32>
    %get3A_145 = vector.shape_cast %get3A_144 : vector<1x128x256xf32> to vector<128x256xf32>
    %logistic3A_146 = arith.negf %get3A_145 : vector<128x256xf32>
    %logistic3A_147 = math.exp %logistic3A_146 : vector<128x256xf32>
    %logistic3A_148 = arith.constant 1.000000e+00 : f32
    %logistic3A_149 = vector.broadcast %logistic3A_148 : f32 to vector<128x256xf32>
    %logistic3A_150 = arith.addf %logistic3A_149, %logistic3A_147 : vector<128x256xf32>
    %logistic3A_151 = arith.divf %logistic3A_149, %logistic3A_150 : vector<128x256xf32>
    %swap3A_152 = arith.constant 0 : index
    %swap3A_153 = arith.constant 8 : index
    %swap3A_154 = arith.constant 0 : index
    %swap3A_155 = arith.constant 0 : index
    %swap3A_156 = vector.load %arg2[%swap3A_152, %swap3A_153, %swap3A_154, %swap3A_155] : memref<1x40x128x256xf32, #tpu.memory_space<vmem>>, vector<1x1x128x256xf32>
    %swap3A_157 = vector.shape_cast %swap3A_156 : vector<1x1x128x256xf32> to vector<128x256xf32>
    %swap3A_158 = vector.shape_cast %logistic3A_151 : vector<128x256xf32> to vector<1x1x128x256xf32>
    tpu.vector_store %arg2[%swap3A_152, %swap3A_153, %swap3A_154, %swap3A_155], %swap3A_158 {strides = array<i32>} : memref<1x40x128x256xf32, #tpu.memory_space<vmem>>, vector<1x1x128x256xf32>,
    %get3A_159 = arith.constant 0 : index
    %get3A_160 = arith.constant 1152 : index
    %get3A_161 = arith.constant 0 : index
    %get3A_162 = vector.load %arg1[%get3A_159, %get3A_160, %get3A_161] : memref<1x5000x256xf32, #tpu.memory_space<vmem>>, vector<1x128x256xf32>
    %get3A_163 = vector.shape_cast %get3A_162 : vector<1x128x256xf32> to vector<128x256xf32>
    %logistic3A_164 = arith.negf %get3A_163 : vector<128x256xf32>
    %logistic3A_165 = math.exp %logistic3A_164 : vector<128x256xf32>
    %logistic3A_166 = arith.constant 1.000000e+00 : f32
    %logistic3A_167 = vector.broadcast %logistic3A_166 : f32 to vector<128x256xf32>
    %logistic3A_168 = arith.addf %logistic3A_167, %logistic3A_165 : vector<128x256xf32>
    %logistic3A_169 = arith.divf %logistic3A_167, %logistic3A_168 : vector<128x256xf32>
    %swap3A_170 = arith.constant 0 : index
    %swap3A_171 = arith.constant 9 : index
    %swap3A_172 = arith.constant 0 : index
    %swap3A_173 = arith.constant 0 : index
    %swap3A_174 = vector.load %arg2[%swap3A_170, %swap3A_171, %swap3A_172, %swap3A_173] : memref<1x40x128x256xf32, #tpu.memory_space<vmem>>, vector<1x1x128x256xf32>
    %swap3A_175 = vector.shape_cast %swap3A_174 : vector<1x1x128x256xf32> to vector<128x256xf32>
    %swap3A_176 = vector.shape_cast %logistic3A_169 : vector<128x256xf32> to vector<1x1x128x256xf32>
    tpu.vector_store %arg2[%swap3A_170, %swap3A_171, %swap3A_172, %swap3A_173], %swap3A_176 {strides = array<i32>} : memref<1x40x128x256xf32, #tpu.memory_space<vmem>>, vector<1x1x128x256xf32>,
    %get3A_177 = arith.constant 0 : index
    %get3A_178 = arith.constant 1280 : index
    %get3A_179 = arith.constant 0 : index
    %get3A_180 = vector.load %arg1[%get3A_177, %get3A_178, %get3A_179] : memref<1x5000x256xf32, #tpu.memory_space<vmem>>, vector<1x128x256xf32>
    %get3A_181 = vector.shape_cast %get3A_180 : vector<1x128x256xf32> to vector<128x256xf32>
    %logistic3A_182 = arith.negf %get3A_181 : vector<128x256xf32>
    %logistic3A_183 = math.exp %logistic3A_182 : vector<128x256xf32>
    %logistic3A_184 = arith.constant 1.000000e+00 : f32
    %logistic3A_185 = vector.broadcast %logistic3A_184 : f32 to vector<128x256xf32>
    %logistic3A_186 = arith.addf %logistic3A_185, %logistic3A_183 : vector<128x256xf32>
    %logistic3A_187 = arith.divf %logistic3A_185, %logistic3A_186 : vector<128x256xf32>
    %swap3A_188 = arith.constant 0 : index
    %swap3A_189 = arith.constant 10 : index
    %swap3A_190 = arith.constant 0 : index
    %swap3A_191 = arith.constant 0 : index
    %swap3A_192 = vector.load %arg2[%swap3A_188, %swap3A_189, %swap3A_190, %swap3A_191] : memref<1x40x128x256xf32, #tpu.memory_space<vmem>>, vector<1x1x128x256xf32>
    %swap3A_193 = vector.shape_cast %swap3A_192 : vector<1x1x128x256xf32> to vector<128x256xf32>
    %swap3A_194 = vector.shape_cast %logistic3A_187 : vector<128x256xf32> to vector<1x1x128x256xf32>
    tpu.vector_store %arg2[%swap3A_188, %swap3A_189, %swap3A_190, %swap3A_191], %swap3A_194 {strides = array<i32>} : memref<1x40x128x256xf32, #tpu.memory_space<vmem>>, vector<1x1x128x256xf32>,
    %get3A_195 = arith.constant 0 : index
    %get3A_196 = arith.constant 1408 : index
    %get3A_197 = arith.constant 0 : index
    %get3A_198 = vector.load %arg1[%get3A_195, %get3A_196, %get3A_197] : memref<1x5000x256xf32, #tpu.memory_space<vmem>>, vector<1x128x256xf32>
    %get3A_199 = vector.shape_cast %get3A_198 : vector<1x128x256xf32> to vector<128x256xf32>
    %logistic3A_200 = arith.negf %get3A_199 : vector<128x256xf32>
    %logistic3A_201 = math.exp %logistic3A_200 : vector<128x256xf32>
    %logistic3A_202 = arith.constant 1.000000e+00 : f32
    %logistic3A_203 = vector.broadcast %logistic3A_202 : f32 to vector<128x256xf32>
    %logistic3A_204 = arith.addf %logistic3A_203, %logistic3A_201 : vector<128x256xf32>
    %logistic3A_205 = arith.divf %logistic3A_203, %logistic3A_204 : vector<128x256xf32>
    %swap3A_206 = arith.constant 0 : index
    %swap3A_207 = arith.constant 11 : index
    %swap3A_208 = arith.constant 0 : index
    %swap3A_209 = arith.constant 0 : index
    %swap3A_210 = vector.load %arg2[%swap3A_206, %swap3A_207, %swap3A_208, %swap3A_209] : memref<1x40x128x256xf32, #tpu.memory_space<vmem>>, vector<1x1x128x256xf32>
    %swap3A_211 = vector.shape_cast %swap3A_210 : vector<1x1x128x256xf32> to vector<128x256xf32>
    %swap3A_212 = vector.shape_cast %logistic3A_205 : vector<128x256xf32> to vector<1x1x128x256xf32>
    tpu.vector_store %arg2[%swap3A_206, %swap3A_207, %swap3A_208, %swap3A_209], %swap3A_212 {strides = array<i32>} : memref<1x40x128x256xf32, #tpu.memory_space<vmem>>, vector<1x1x128x256xf32>,
    %get3A_213 = arith.constant 0 : index
    %get3A_214 = arith.constant 1536 : index
    %get3A_215 = arith.constant 0 : index
    %get3A_216 = vector.load %arg1[%get3A_213, %get3A_214, %get3A_215] : memref<1x5000x256xf32, #tpu.memory_space<vmem>>, vector<1x128x256xf32>
    %get3A_217 = vector.shape_cast %get3A_216 : vector<1x128x256xf32> to vector<128x256xf32>
    %logistic3A_218 = arith.negf %get3A_217 : vector<128x256xf32>
    %logistic3A_219 = math.exp %logistic3A_218 : vector<128x256xf32>
    %logistic3A_220 = arith.constant 1.000000e+00 : f32
    %logistic3A_221 = vector.broadcast %logistic3A_220 : f32 to vector<128x256xf32>
    %logistic3A_222 = arith.addf %logistic3A_221, %logistic3A_219 : vector<128x256xf32>
    %logistic3A_223 = arith.divf %logistic3A_221, %logistic3A_222 : vector<128x256xf32>
    %swap3A_224 = arith.constant 0 : index
    %swap3A_225 = arith.constant 12 : index
    %swap3A_226 = arith.constant 0 : index
    %swap3A_227 = arith.constant 0 : index
    %swap3A_228 = vector.load %arg2[%swap3A_224, %swap3A_225, %swap3A_226, %swap3A_227] : memref<1x40x128x256xf32, #tpu.memory_space<vmem>>, vector<1x1x128x256xf32>
    %swap3A_229 = vector.shape_cast %swap3A_228 : vector<1x1x128x256xf32> to vector<128x256xf32>
    %swap3A_230 = vector.shape_cast %logistic3A_223 : vector<128x256xf32> to vector<1x1x128x256xf32>
    tpu.vector_store %arg2[%swap3A_224, %swap3A_225, %swap3A_226, %swap3A_227], %swap3A_230 {strides = array<i32>} : memref<1x40x128x256xf32, #tpu.memory_space<vmem>>, vector<1x1x128x256xf32>,
    %get3A_231 = arith.constant 0 : index
    %get3A_232 = arith.constant 1664 : index
    %get3A_233 = arith.constant 0 : index
    %get3A_234 = vector.load %arg1[%get3A_231, %get3A_232, %get3A_233] : memref<1x5000x256xf32, #tpu.memory_space<vmem>>, vector<1x128x256xf32>
    %get3A_235 = vector.shape_cast %get3A_234 : vector<1x128x256xf32> to vector<128x256xf32>
    %logistic3A_236 = arith.negf %get3A_235 : vector<128x256xf32>
    %logistic3A_237 = math.exp %logistic3A_236 : vector<128x256xf32>
    %logistic3A_238 = arith.constant 1.000000e+00 : f32
    %logistic3A_239 = vector.broadcast %logistic3A_238 : f32 to vector<128x256xf32>
    %logistic3A_240 = arith.addf %logistic3A_239, %logistic3A_237 : vector<128x256xf32>
    %logistic3A_241 = arith.divf %logistic3A_239, %logistic3A_240 : vector<128x256xf32>
    %swap3A_242 = arith.constant 0 : index
    %swap3A_243 = arith.constant 13 : index
    %swap3A_244 = arith.constant 0 : index
    %swap3A_245 = arith.constant 0 : index
    %swap3A_246 = vector.load %arg2[%swap3A_242, %swap3A_243, %swap3A_244, %swap3A_245] : memref<1x40x128x256xf32, #tpu.memory_space<vmem>>, vector<1x1x128x256xf32>
    %swap3A_247 = vector.shape_cast %swap3A_246 : vector<1x1x128x256xf32> to vector<128x256xf32>
    %swap3A_248 = vector.shape_cast %logistic3A_241 : vector<128x256xf32> to vector<1x1x128x256xf32>
    tpu.vector_store %arg2[%swap3A_242, %swap3A_243, %swap3A_244, %swap3A_245], %swap3A_248 {strides = array<i32>} : memref<1x40x128x256xf32, #tpu.memory_space<vmem>>, vector<1x1x128x256xf32>,
    %get3A_249 = arith.constant 0 : index
    %get3A_250 = arith.constant 1792 : index
    %get3A_251 = arith.constant 0 : index
    %get3A_252 = vector.load %arg1[%get3A_249, %get3A_250, %get3A_251] : memref<1x5000x256xf32, #tpu.memory_space<vmem>>, vector<1x128x256xf32>
    %get3A_253 = vector.shape_cast %get3A_252 : vector<1x128x256xf32> to vector<128x256xf32>
    %logistic3A_254 = arith.negf %get3A_253 : vector<128x256xf32>
    %logistic3A_255 = math.exp %logistic3A_254 : vector<128x256xf32>
    %logistic3A_256 = arith.constant 1.000000e+00 : f32
    %logistic3A_257 = vector.broadcast %logistic3A_256 : f32 to vector<128x256xf32>
    %logistic3A_258 = arith.addf %logistic3A_257, %logistic3A_255 : vector<128x256xf32>
    %logistic3A_259 = arith.divf %logistic3A_257, %logistic3A_258 : vector<128x256xf32>
    %swap3A_260 = arith.constant 0 : index
    %swap3A_261 = arith.constant 14 : index
    %swap3A_262 = arith.constant 0 : index
    %swap3A_263 = arith.constant 0 : index
    %swap3A_264 = vector.load %arg2[%swap3A_260, %swap3A_261, %swap3A_262, %swap3A_263] : memref<1x40x128x256xf32, #tpu.memory_space<vmem>>, vector<1x1x128x256xf32>
    %swap3A_265 = vector.shape_cast %swap3A_264 : vector<1x1x128x256xf32> to vector<128x256xf32>
    %swap3A_266 = vector.shape_cast %logistic3A_259 : vector<128x256xf32> to vector<1x1x128x256xf32>
    tpu.vector_store %arg2[%swap3A_260, %swap3A_261, %swap3A_262, %swap3A_263], %swap3A_266 {strides = array<i32>} : memref<1x40x128x256xf32, #tpu.memory_space<vmem>>, vector<1x1x128x256xf32>,
    %get3A_267 = arith.constant 0 : index
    %get3A_268 = arith.constant 1920 : index
    %get3A_269 = arith.constant 0 : index
    %get3A_270 = vector.load %arg1[%get3A_267, %get3A_268, %get3A_269] : memref<1x5000x256xf32, #tpu.memory_space<vmem>>, vector<1x128x256xf32>
    %get3A_271 = vector.shape_cast %get3A_270 : vector<1x128x256xf32> to vector<128x256xf32>
    %logistic3A_272 = arith.negf %get3A_271 : vector<128x256xf32>
    %logistic3A_273 = math.exp %logistic3A_272 : vector<128x256xf32>
    %logistic3A_274 = arith.constant 1.000000e+00 : f32
    %logistic3A_275 = vector.broadcast %logistic3A_274 : f32 to vector<128x256xf32>
    %logistic3A_276 = arith.addf %logistic3A_275, %logistic3A_273 : vector<128x256xf32>
    %logistic3A_277 = arith.divf %logistic3A_275, %logistic3A_276 : vector<128x256xf32>
    %swap3A_278 = arith.constant 0 : index
    %swap3A_279 = arith.constant 15 : index
    %swap3A_280 = arith.constant 0 : index
    %swap3A_281 = arith.constant 0 : index
    %swap3A_282 = vector.load %arg2[%swap3A_278, %swap3A_279, %swap3A_280, %swap3A_281] : memref<1x40x128x256xf32, #tpu.memory_space<vmem>>, vector<1x1x128x256xf32>
    %swap3A_283 = vector.shape_cast %swap3A_282 : vector<1x1x128x256xf32> to vector<128x256xf32>
    %swap3A_284 = vector.shape_cast %logistic3A_277 : vector<128x256xf32> to vector<1x1x128x256xf32>
    tpu.vector_store %arg2[%swap3A_278, %swap3A_279, %swap3A_280, %swap3A_281], %swap3A_284 {strides = array<i32>} : memref<1x40x128x256xf32, #tpu.memory_space<vmem>>, vector<1x1x128x256xf32>,
    %get3A_285 = arith.constant 0 : index
    %get3A_286 = arith.constant 2048 : index
    %get3A_287 = arith.constant 0 : index
    %get3A_288 = vector.load %arg1[%get3A_285, %get3A_286, %get3A_287] : memref<1x5000x256xf32, #tpu.memory_space<vmem>>, vector<1x128x256xf32>
    %get3A_289 = vector.shape_cast %get3A_288 : vector<1x128x256xf32> to vector<128x256xf32>
    %logistic3A_290 = arith.negf %get3A_289 : vector<128x256xf32>
    %logistic3A_291 = math.exp %logistic3A_290 : vector<128x256xf32>
    %logistic3A_292 = arith.constant 1.000000e+00 : f32
    %logistic3A_293 = vector.broadcast %logistic3A_292 : f32 to vector<128x256xf32>
    %logistic3A_294 = arith.addf %logistic3A_293, %logistic3A_291 : vector<128x256xf32>
    %logistic3A_295 = arith.divf %logistic3A_293, %logistic3A_294 : vector<128x256xf32>
    %swap3A_296 = arith.constant 0 : index
    %swap3A_297 = arith.constant 16 : index
    %swap3A_298 = arith.constant 0 : index
    %swap3A_299 = arith.constant 0 : index
    %swap3A_300 = vector.load %arg2[%swap3A_296, %swap3A_297, %swap3A_298, %swap3A_299] : memref<1x40x128x256xf32, #tpu.memory_space<vmem>>, vector<1x1x128x256xf32>
    %swap3A_301 = vector.shape_cast %swap3A_300 : vector<1x1x128x256xf32> to vector<128x256xf32>
    %swap3A_302 = vector.shape_cast %logistic3A_295 : vector<128x256xf32> to vector<1x1x128x256xf32>
    tpu.vector_store %arg2[%swap3A_296, %swap3A_297, %swap3A_298, %swap3A_299], %swap3A_302 {strides = array<i32>} : memref<1x40x128x256xf32, #tpu.memory_space<vmem>>, vector<1x1x128x256xf32>,
    %get3A_303 = arith.constant 0 : index
    %get3A_304 = arith.constant 2176 : index
    %get3A_305 = arith.constant 0 : index
    %get3A_306 = vector.load %arg1[%get3A_303, %get3A_304, %get3A_305] : memref<1x5000x256xf32, #tpu.memory_space<vmem>>, vector<1x128x256xf32>
    %get3A_307 = vector.shape_cast %get3A_306 : vector<1x128x256xf32> to vector<128x256xf32>
    %logistic3A_308 = arith.negf %get3A_307 : vector<128x256xf32>
    %logistic3A_309 = math.exp %logistic3A_308 : vector<128x256xf32>
    %logistic3A_310 = arith.constant 1.000000e+00 : f32
    %logistic3A_311 = vector.broadcast %logistic3A_310 : f32 to vector<128x256xf32>
    %logistic3A_312 = arith.addf %logistic3A_311, %logistic3A_309 : vector<128x256xf32>
    %logistic3A_313 = arith.divf %logistic3A_311, %logistic3A_312 : vector<128x256xf32>
    %swap3A_314 = arith.constant 0 : index
    %swap3A_315 = arith.constant 17 : index
    %swap3A_316 = arith.constant 0 : index
    %swap3A_317 = arith.constant 0 : index
    %swap3A_318 = vector.load %arg2[%swap3A_314, %swap3A_315, %swap3A_316, %swap3A_317] : memref<1x40x128x256xf32, #tpu.memory_space<vmem>>, vector<1x1x128x256xf32>
    %swap3A_319 = vector.shape_cast %swap3A_318 : vector<1x1x128x256xf32> to vector<128x256xf32>
    %swap3A_320 = vector.shape_cast %logistic3A_313 : vector<128x256xf32> to vector<1x1x128x256xf32>
    tpu.vector_store %arg2[%swap3A_314, %swap3A_315, %swap3A_316, %swap3A_317], %swap3A_320 {strides = array<i32>} : memref<1x40x128x256xf32, #tpu.memory_space<vmem>>, vector<1x1x128x256xf32>,
    %get3A_321 = arith.constant 0 : index
    %get3A_322 = arith.constant 2304 : index
    %get3A_323 = arith.constant 0 : index
    %get3A_324 = vector.load %arg1[%get3A_321, %get3A_322, %get3A_323] : memref<1x5000x256xf32, #tpu.memory_space<vmem>>, vector<1x128x256xf32>
    %get3A_325 = vector.shape_cast %get3A_324 : vector<1x128x256xf32> to vector<128x256xf32>
    %logistic3A_326 = arith.negf %get3A_325 : vector<128x256xf32>
    %logistic3A_327 = math.exp %logistic3A_326 : vector<128x256xf32>
    %logistic3A_328 = arith.constant 1.000000e+00 : f32
    %logistic3A_329 = vector.broadcast %logistic3A_328 : f32 to vector<128x256xf32>
    %logistic3A_330 = arith.addf %logistic3A_329, %logistic3A_327 : vector<128x256xf32>
    %logistic3A_331 = arith.divf %logistic3A_329, %logistic3A_330 : vector<128x256xf32>
    %swap3A_332 = arith.constant 0 : index
    %swap3A_333 = arith.constant 18 : index
    %swap3A_334 = arith.constant 0 : index
    %swap3A_335 = arith.constant 0 : index
    %swap3A_336 = vector.load %arg2[%swap3A_332, %swap3A_333, %swap3A_334, %swap3A_335] : memref<1x40x128x256xf32, #tpu.memory_space<vmem>>, vector<1x1x128x256xf32>
    %swap3A_337 = vector.shape_cast %swap3A_336 : vector<1x1x128x256xf32> to vector<128x256xf32>
    %swap3A_338 = vector.shape_cast %logistic3A_331 : vector<128x256xf32> to vector<1x1x128x256xf32>
    tpu.vector_store %arg2[%swap3A_332, %swap3A_333, %swap3A_334, %swap3A_335], %swap3A_338 {strides = array<i32>} : memref<1x40x128x256xf32, #tpu.memory_space<vmem>>, vector<1x1x128x256xf32>,
    %get3A_339 = arith.constant 0 : index
    %get3A_340 = arith.constant 2432 : index
    %get3A_341 = arith.constant 0 : index
    %get3A_342 = vector.load %arg1[%get3A_339, %get3A_340, %get3A_341] : memref<1x5000x256xf32, #tpu.memory_space<vmem>>, vector<1x128x256xf32>
    %get3A_343 = vector.shape_cast %get3A_342 : vector<1x128x256xf32> to vector<128x256xf32>
    %logistic3A_344 = arith.negf %get3A_343 : vector<128x256xf32>
    %logistic3A_345 = math.exp %logistic3A_344 : vector<128x256xf32>
    %logistic3A_346 = arith.constant 1.000000e+00 : f32
    %logistic3A_347 = vector.broadcast %logistic3A_346 : f32 to vector<128x256xf32>
    %logistic3A_348 = arith.addf %logistic3A_347, %logistic3A_345 : vector<128x256xf32>
    %logistic3A_349 = arith.divf %logistic3A_347, %logistic3A_348 : vector<128x256xf32>
    %swap3A_350 = arith.constant 0 : index
    %swap3A_351 = arith.constant 19 : index
    %swap3A_352 = arith.constant 0 : index
    %swap3A_353 = arith.constant 0 : index
    %swap3A_354 = vector.load %arg2[%swap3A_350, %swap3A_351, %swap3A_352, %swap3A_353] : memref<1x40x128x256xf32, #tpu.memory_space<vmem>>, vector<1x1x128x256xf32>
    %swap3A_355 = vector.shape_cast %swap3A_354 : vector<1x1x128x256xf32> to vector<128x256xf32>
    %swap3A_356 = vector.shape_cast %logistic3A_349 : vector<128x256xf32> to vector<1x1x128x256xf32>
    tpu.vector_store %arg2[%swap3A_350, %swap3A_351, %swap3A_352, %swap3A_353], %swap3A_356 {strides = array<i32>} : memref<1x40x128x256xf32, #tpu.memory_space<vmem>>, vector<1x1x128x256xf32>,
    %get3A_357 = arith.constant 0 : index
    %get3A_358 = arith.constant 2560 : index
    %get3A_359 = arith.constant 0 : index
    %get3A_360 = vector.load %arg1[%get3A_357, %get3A_358, %get3A_359] : memref<1x5000x256xf32, #tpu.memory_space<vmem>>, vector<1x128x256xf32>
    %get3A_361 = vector.shape_cast %get3A_360 : vector<1x128x256xf32> to vector<128x256xf32>
    %logistic3A_362 = arith.negf %get3A_361 : vector<128x256xf32>
    %logistic3A_363 = math.exp %logistic3A_362 : vector<128x256xf32>
    %logistic3A_364 = arith.constant 1.000000e+00 : f32
    %logistic3A_365 = vector.broadcast %logistic3A_364 : f32 to vector<128x256xf32>
    %logistic3A_366 = arith.addf %logistic3A_365, %logistic3A_363 : vector<128x256xf32>
    %logistic3A_367 = arith.divf %logistic3A_365, %logistic3A_366 : vector<128x256xf32>
    %swap3A_368 = arith.constant 0 : index
    %swap3A_369 = arith.constant 20 : index
    %swap3A_370 = arith.constant 0 : index
    %swap3A_371 = arith.constant 0 : index
    %swap3A_372 = vector.load %arg2[%swap3A_368, %swap3A_369, %swap3A_370, %swap3A_371] : memref<1x40x128x256xf32, #tpu.memory_space<vmem>>, vector<1x1x128x256xf32>
    %swap3A_373 = vector.shape_cast %swap3A_372 : vector<1x1x128x256xf32> to vector<128x256xf32>
    %swap3A_374 = vector.shape_cast %logistic3A_367 : vector<128x256xf32> to vector<1x1x128x256xf32>
    tpu.vector_store %arg2[%swap3A_368, %swap3A_369, %swap3A_370, %swap3A_371], %swap3A_374 {strides = array<i32>} : memref<1x40x128x256xf32, #tpu.memory_space<vmem>>, vector<1x1x128x256xf32>,
    %get3A_375 = arith.constant 0 : index
    %get3A_376 = arith.constant 2688 : index
    %get3A_377 = arith.constant 0 : index
    %get3A_378 = vector.load %arg1[%get3A_375, %get3A_376, %get3A_377] : memref<1x5000x256xf32, #tpu.memory_space<vmem>>, vector<1x128x256xf32>
    %get3A_379 = vector.shape_cast %get3A_378 : vector<1x128x256xf32> to vector<128x256xf32>
    %logistic3A_380 = arith.negf %get3A_379 : vector<128x256xf32>
    %logistic3A_381 = math.exp %logistic3A_380 : vector<128x256xf32>
    %logistic3A_382 = arith.constant 1.000000e+00 : f32
    %logistic3A_383 = vector.broadcast %logistic3A_382 : f32 to vector<128x256xf32>
    %logistic3A_384 = arith.addf %logistic3A_383, %logistic3A_381 : vector<128x256xf32>
    %logistic3A_385 = arith.divf %logistic3A_383, %logistic3A_384 : vector<128x256xf32>
    %swap3A_386 = arith.constant 0 : index
    %swap3A_387 = arith.constant 21 : index
    %swap3A_388 = arith.constant 0 : index
    %swap3A_389 = arith.constant 0 : index
    %swap3A_390 = vector.load %arg2[%swap3A_386, %swap3A_387, %swap3A_388, %swap3A_389] : memref<1x40x128x256xf32, #tpu.memory_space<vmem>>, vector<1x1x128x256xf32>
    %swap3A_391 = vector.shape_cast %swap3A_390 : vector<1x1x128x256xf32> to vector<128x256xf32>
    %swap3A_392 = vector.shape_cast %logistic3A_385 : vector<128x256xf32> to vector<1x1x128x256xf32>
    tpu.vector_store %arg2[%swap3A_386, %swap3A_387, %swap3A_388, %swap3A_389], %swap3A_392 {strides = array<i32>} : memref<1x40x128x256xf32, #tpu.memory_space<vmem>>, vector<1x1x128x256xf32>,
    %get3A_393 = arith.constant 0 : index
    %get3A_394 = arith.constant 2816 : index
    %get3A_395 = arith.constant 0 : index
    %get3A_396 = vector.load %arg1[%get3A_393, %get3A_394, %get3A_395] : memref<1x5000x256xf32, #tpu.memory_space<vmem>>, vector<1x128x256xf32>
    %get3A_397 = vector.shape_cast %get3A_396 : vector<1x128x256xf32> to vector<128x256xf32>
    %logistic3A_398 = arith.negf %get3A_397 : vector<128x256xf32>
    %logistic3A_399 = math.exp %logistic3A_398 : vector<128x256xf32>
    %logistic3A_400 = arith.constant 1.000000e+00 : f32
    %logistic3A_401 = vector.broadcast %logistic3A_400 : f32 to vector<128x256xf32>
    %logistic3A_402 = arith.addf %logistic3A_401, %logistic3A_399 : vector<128x256xf32>
    %logistic3A_403 = arith.divf %logistic3A_401, %logistic3A_402 : vector<128x256xf32>
    %swap3A_404 = arith.constant 0 : index
    %swap3A_405 = arith.constant 22 : index
    %swap3A_406 = arith.constant 0 : index
    %swap3A_407 = arith.constant 0 : index
    %swap3A_408 = vector.load %arg2[%swap3A_404, %swap3A_405, %swap3A_406, %swap3A_407] : memref<1x40x128x256xf32, #tpu.memory_space<vmem>>, vector<1x1x128x256xf32>
    %swap3A_409 = vector.shape_cast %swap3A_408 : vector<1x1x128x256xf32> to vector<128x256xf32>
    %swap3A_410 = vector.shape_cast %logistic3A_403 : vector<128x256xf32> to vector<1x1x128x256xf32>
    tpu.vector_store %arg2[%swap3A_404, %swap3A_405, %swap3A_406, %swap3A_407], %swap3A_410 {strides = array<i32>} : memref<1x40x128x256xf32, #tpu.memory_space<vmem>>, vector<1x1x128x256xf32>,
    %get3A_411 = arith.constant 0 : index
    %get3A_412 = arith.constant 2944 : index
    %get3A_413 = arith.constant 0 : index
    %get3A_414 = vector.load %arg1[%get3A_411, %get3A_412, %get3A_413] : memref<1x5000x256xf32, #tpu.memory_space<vmem>>, vector<1x128x256xf32>
    %get3A_415 = vector.shape_cast %get3A_414 : vector<1x128x256xf32> to vector<128x256xf32>
    %logistic3A_416 = arith.negf %get3A_415 : vector<128x256xf32>
    %logistic3A_417 = math.exp %logistic3A_416 : vector<128x256xf32>
    %logistic3A_418 = arith.constant 1.000000e+00 : f32
    %logistic3A_419 = vector.broadcast %logistic3A_418 : f32 to vector<128x256xf32>
    %logistic3A_420 = arith.addf %logistic3A_419, %logistic3A_417 : vector<128x256xf32>
    %logistic3A_421 = arith.divf %logistic3A_419, %logistic3A_420 : vector<128x256xf32>
    %swap3A_422 = arith.constant 0 : index
    %swap3A_423 = arith.constant 23 : index
    %swap3A_424 = arith.constant 0 : index
    %swap3A_425 = arith.constant 0 : index
    %swap3A_426 = vector.load %arg2[%swap3A_422, %swap3A_423, %swap3A_424, %swap3A_425] : memref<1x40x128x256xf32, #tpu.memory_space<vmem>>, vector<1x1x128x256xf32>
    %swap3A_427 = vector.shape_cast %swap3A_426 : vector<1x1x128x256xf32> to vector<128x256xf32>
    %swap3A_428 = vector.shape_cast %logistic3A_421 : vector<128x256xf32> to vector<1x1x128x256xf32>
    tpu.vector_store %arg2[%swap3A_422, %swap3A_423, %swap3A_424, %swap3A_425], %swap3A_428 {strides = array<i32>} : memref<1x40x128x256xf32, #tpu.memory_space<vmem>>, vector<1x1x128x256xf32>,
    %get3A_429 = arith.constant 0 : index
    %get3A_430 = arith.constant 3072 : index
    %get3A_431 = arith.constant 0 : index
    %get3A_432 = vector.load %arg1[%get3A_429, %get3A_430, %get3A_431] : memref<1x5000x256xf32, #tpu.memory_space<vmem>>, vector<1x128x256xf32>
    %get3A_433 = vector.shape_cast %get3A_432 : vector<1x128x256xf32> to vector<128x256xf32>
    %logistic3A_434 = arith.negf %get3A_433 : vector<128x256xf32>
    %logistic3A_435 = math.exp %logistic3A_434 : vector<128x256xf32>
    %logistic3A_436 = arith.constant 1.000000e+00 : f32
    %logistic3A_437 = vector.broadcast %logistic3A_436 : f32 to vector<128x256xf32>
    %logistic3A_438 = arith.addf %logistic3A_437, %logistic3A_435 : vector<128x256xf32>
    %logistic3A_439 = arith.divf %logistic3A_437, %logistic3A_438 : vector<128x256xf32>
    %swap3A_440 = arith.constant 0 : index
    %swap3A_441 = arith.constant 24 : index
    %swap3A_442 = arith.constant 0 : index
    %swap3A_443 = arith.constant 0 : index
    %swap3A_444 = vector.load %arg2[%swap3A_440, %swap3A_441, %swap3A_442, %swap3A_443] : memref<1x40x128x256xf32, #tpu.memory_space<vmem>>, vector<1x1x128x256xf32>
    %swap3A_445 = vector.shape_cast %swap3A_444 : vector<1x1x128x256xf32> to vector<128x256xf32>
    %swap3A_446 = vector.shape_cast %logistic3A_439 : vector<128x256xf32> to vector<1x1x128x256xf32>
    tpu.vector_store %arg2[%swap3A_440, %swap3A_441, %swap3A_442, %swap3A_443], %swap3A_446 {strides = array<i32>} : memref<1x40x128x256xf32, #tpu.memory_space<vmem>>, vector<1x1x128x256xf32>,
    %get3A_447 = arith.constant 0 : index
    %get3A_448 = arith.constant 3200 : index
    %get3A_449 = arith.constant 0 : index
    %get3A_450 = vector.load %arg1[%get3A_447, %get3A_448, %get3A_449] : memref<1x5000x256xf32, #tpu.memory_space<vmem>>, vector<1x128x256xf32>
    %get3A_451 = vector.shape_cast %get3A_450 : vector<1x128x256xf32> to vector<128x256xf32>
    %logistic3A_452 = arith.negf %get3A_451 : vector<128x256xf32>
    %logistic3A_453 = math.exp %logistic3A_452 : vector<128x256xf32>
    %logistic3A_454 = arith.constant 1.000000e+00 : f32
    %logistic3A_455 = vector.broadcast %logistic3A_454 : f32 to vector<128x256xf32>
    %logistic3A_456 = arith.addf %logistic3A_455, %logistic3A_453 : vector<128x256xf32>
    %logistic3A_457 = arith.divf %logistic3A_455, %logistic3A_456 : vector<128x256xf32>
    %swap3A_458 = arith.constant 0 : index
    %swap3A_459 = arith.constant 25 : index
    %swap3A_460 = arith.constant 0 : index
    %swap3A_461 = arith.constant 0 : index
    %swap3A_462 = vector.load %arg2[%swap3A_458, %swap3A_459, %swap3A_460, %swap3A_461] : memref<1x40x128x256xf32, #tpu.memory_space<vmem>>, vector<1x1x128x256xf32>
    %swap3A_463 = vector.shape_cast %swap3A_462 : vector<1x1x128x256xf32> to vector<128x256xf32>
    %swap3A_464 = vector.shape_cast %logistic3A_457 : vector<128x256xf32> to vector<1x1x128x256xf32>
    tpu.vector_store %arg2[%swap3A_458, %swap3A_459, %swap3A_460, %swap3A_461], %swap3A_464 {strides = array<i32>} : memref<1x40x128x256xf32, #tpu.memory_space<vmem>>, vector<1x1x128x256xf32>,
    %get3A_465 = arith.constant 0 : index
    %get3A_466 = arith.constant 3328 : index
    %get3A_467 = arith.constant 0 : index
    %get3A_468 = vector.load %arg1[%get3A_465, %get3A_466, %get3A_467] : memref<1x5000x256xf32, #tpu.memory_space<vmem>>, vector<1x128x256xf32>
    %get3A_469 = vector.shape_cast %get3A_468 : vector<1x128x256xf32> to vector<128x256xf32>
    %logistic3A_470 = arith.negf %get3A_469 : vector<128x256xf32>
    %logistic3A_471 = math.exp %logistic3A_470 : vector<128x256xf32>
    %logistic3A_472 = arith.constant 1.000000e+00 : f32
    %logistic3A_473 = vector.broadcast %logistic3A_472 : f32 to vector<128x256xf32>
    %logistic3A_474 = arith.addf %logistic3A_473, %logistic3A_471 : vector<128x256xf32>
    %logistic3A_475 = arith.divf %logistic3A_473, %logistic3A_474 : vector<128x256xf32>
    %swap3A_476 = arith.constant 0 : index
    %swap3A_477 = arith.constant 26 : index
    %swap3A_478 = arith.constant 0 : index
    %swap3A_479 = arith.constant 0 : index
    %swap3A_480 = vector.load %arg2[%swap3A_476, %swap3A_477, %swap3A_478, %swap3A_479] : memref<1x40x128x256xf32, #tpu.memory_space<vmem>>, vector<1x1x128x256xf32>
    %swap3A_481 = vector.shape_cast %swap3A_480 : vector<1x1x128x256xf32> to vector<128x256xf32>
    %swap3A_482 = vector.shape_cast %logistic3A_475 : vector<128x256xf32> to vector<1x1x128x256xf32>
    tpu.vector_store %arg2[%swap3A_476, %swap3A_477, %swap3A_478, %swap3A_479], %swap3A_482 {strides = array<i32>} : memref<1x40x128x256xf32, #tpu.memory_space<vmem>>, vector<1x1x128x256xf32>,
    %get3A_483 = arith.constant 0 : index
    %get3A_484 = arith.constant 3456 : index
    %get3A_485 = arith.constant 0 : index
    %get3A_486 = vector.load %arg1[%get3A_483, %get3A_484, %get3A_485] : memref<1x5000x256xf32, #tpu.memory_space<vmem>>, vector<1x128x256xf32>
    %get3A_487 = vector.shape_cast %get3A_486 : vector<1x128x256xf32> to vector<128x256xf32>
    %logistic3A_488 = arith.negf %get3A_487 : vector<128x256xf32>
    %logistic3A_489 = math.exp %logistic3A_488 : vector<128x256xf32>
    %logistic3A_490 = arith.constant 1.000000e+00 : f32
    %logistic3A_491 = vector.broadcast %logistic3A_490 : f32 to vector<128x256xf32>
    %logistic3A_492 = arith.addf %logistic3A_491, %logistic3A_489 : vector<128x256xf32>
    %logistic3A_493 = arith.divf %logistic3A_491, %logistic3A_492 : vector<128x256xf32>
    %swap3A_494 = arith.constant 0 : index
    %swap3A_495 = arith.constant 27 : index
    %swap3A_496 = arith.constant 0 : index
    %swap3A_497 = arith.constant 0 : index
    %swap3A_498 = vector.load %arg2[%swap3A_494, %swap3A_495, %swap3A_496, %swap3A_497] : memref<1x40x128x256xf32, #tpu.memory_space<vmem>>, vector<1x1x128x256xf32>
    %swap3A_499 = vector.shape_cast %swap3A_498 : vector<1x1x128x256xf32> to vector<128x256xf32>
    %swap3A_500 = vector.shape_cast %logistic3A_493 : vector<128x256xf32> to vector<1x1x128x256xf32>
    tpu.vector_store %arg2[%swap3A_494, %swap3A_495, %swap3A_496, %swap3A_497], %swap3A_500 {strides = array<i32>} : memref<1x40x128x256xf32, #tpu.memory_space<vmem>>, vector<1x1x128x256xf32>,
    %get3A_501 = arith.constant 0 : index
    %get3A_502 = arith.constant 3584 : index
    %get3A_503 = arith.constant 0 : index
    %get3A_504 = vector.load %arg1[%get3A_501, %get3A_502, %get3A_503] : memref<1x5000x256xf32, #tpu.memory_space<vmem>>, vector<1x128x256xf32>
    %get3A_505 = vector.shape_cast %get3A_504 : vector<1x128x256xf32> to vector<128x256xf32>
    %logistic3A_506 = arith.negf %get3A_505 : vector<128x256xf32>
    %logistic3A_507 = math.exp %logistic3A_506 : vector<128x256xf32>
    %logistic3A_508 = arith.constant 1.000000e+00 : f32
    %logistic3A_509 = vector.broadcast %logistic3A_508 : f32 to vector<128x256xf32>
    %logistic3A_510 = arith.addf %logistic3A_509, %logistic3A_507 : vector<128x256xf32>
    %logistic3A_511 = arith.divf %logistic3A_509, %logistic3A_510 : vector<128x256xf32>
    %swap3A_512 = arith.constant 0 : index
    %swap3A_513 = arith.constant 28 : index
    %swap3A_514 = arith.constant 0 : index
    %swap3A_515 = arith.constant 0 : index
    %swap3A_516 = vector.load %arg2[%swap3A_512, %swap3A_513, %swap3A_514, %swap3A_515] : memref<1x40x128x256xf32, #tpu.memory_space<vmem>>, vector<1x1x128x256xf32>
    %swap3A_517 = vector.shape_cast %swap3A_516 : vector<1x1x128x256xf32> to vector<128x256xf32>
    %swap3A_518 = vector.shape_cast %logistic3A_511 : vector<128x256xf32> to vector<1x1x128x256xf32>
    tpu.vector_store %arg2[%swap3A_512, %swap3A_513, %swap3A_514, %swap3A_515], %swap3A_518 {strides = array<i32>} : memref<1x40x128x256xf32, #tpu.memory_space<vmem>>, vector<1x1x128x256xf32>,
    %get3A_519 = arith.constant 0 : index
    %get3A_520 = arith.constant 3712 : index
    %get3A_521 = arith.constant 0 : index
    %get3A_522 = vector.load %arg1[%get3A_519, %get3A_520, %get3A_521] : memref<1x5000x256xf32, #tpu.memory_space<vmem>>, vector<1x128x256xf32>
    %get3A_523 = vector.shape_cast %get3A_522 : vector<1x128x256xf32> to vector<128x256xf32>
    %logistic3A_524 = arith.negf %get3A_523 : vector<128x256xf32>
    %logistic3A_525 = math.exp %logistic3A_524 : vector<128x256xf32>
    %logistic3A_526 = arith.constant 1.000000e+00 : f32
    %logistic3A_527 = vector.broadcast %logistic3A_526 : f32 to vector<128x256xf32>
    %logistic3A_528 = arith.addf %logistic3A_527, %logistic3A_525 : vector<128x256xf32>
    %logistic3A_529 = arith.divf %logistic3A_527, %logistic3A_528 : vector<128x256xf32>
    %swap3A_530 = arith.constant 0 : index
    %swap3A_531 = arith.constant 29 : index
    %swap3A_532 = arith.constant 0 : index
    %swap3A_533 = arith.constant 0 : index
    %swap3A_534 = vector.load %arg2[%swap3A_530, %swap3A_531, %swap3A_532, %swap3A_533] : memref<1x40x128x256xf32, #tpu.memory_space<vmem>>, vector<1x1x128x256xf32>
    %swap3A_535 = vector.shape_cast %swap3A_534 : vector<1x1x128x256xf32> to vector<128x256xf32>
    %swap3A_536 = vector.shape_cast %logistic3A_529 : vector<128x256xf32> to vector<1x1x128x256xf32>
    tpu.vector_store %arg2[%swap3A_530, %swap3A_531, %swap3A_532, %swap3A_533], %swap3A_536 {strides = array<i32>} : memref<1x40x128x256xf32, #tpu.memory_space<vmem>>, vector<1x1x128x256xf32>,
    %get3A_537 = arith.constant 0 : index
    %get3A_538 = arith.constant 3840 : index
    %get3A_539 = arith.constant 0 : index
    %get3A_540 = vector.load %arg1[%get3A_537, %get3A_538, %get3A_539] : memref<1x5000x256xf32, #tpu.memory_space<vmem>>, vector<1x128x256xf32>
    %get3A_541 = vector.shape_cast %get3A_540 : vector<1x128x256xf32> to vector<128x256xf32>
    %logistic3A_542 = arith.negf %get3A_541 : vector<128x256xf32>
    %logistic3A_543 = math.exp %logistic3A_542 : vector<128x256xf32>
    %logistic3A_544 = arith.constant 1.000000e+00 : f32
    %logistic3A_545 = vector.broadcast %logistic3A_544 : f32 to vector<128x256xf32>
    %logistic3A_546 = arith.addf %logistic3A_545, %logistic3A_543 : vector<128x256xf32>
    %logistic3A_547 = arith.divf %logistic3A_545, %logistic3A_546 : vector<128x256xf32>
    %swap3A_548 = arith.constant 0 : index
    %swap3A_549 = arith.constant 30 : index
    %swap3A_550 = arith.constant 0 : index
    %swap3A_551 = arith.constant 0 : index
    %swap3A_552 = vector.load %arg2[%swap3A_548, %swap3A_549, %swap3A_550, %swap3A_551] : memref<1x40x128x256xf32, #tpu.memory_space<vmem>>, vector<1x1x128x256xf32>
    %swap3A_553 = vector.shape_cast %swap3A_552 : vector<1x1x128x256xf32> to vector<128x256xf32>
    %swap3A_554 = vector.shape_cast %logistic3A_547 : vector<128x256xf32> to vector<1x1x128x256xf32>
    tpu.vector_store %arg2[%swap3A_548, %swap3A_549, %swap3A_550, %swap3A_551], %swap3A_554 {strides = array<i32>} : memref<1x40x128x256xf32, #tpu.memory_space<vmem>>, vector<1x1x128x256xf32>,
    %get3A_555 = arith.constant 0 : index
    %get3A_556 = arith.constant 3968 : index
    %get3A_557 = arith.constant 0 : index
    %get3A_558 = vector.load %arg1[%get3A_555, %get3A_556, %get3A_557] : memref<1x5000x256xf32, #tpu.memory_space<vmem>>, vector<1x128x256xf32>
    %get3A_559 = vector.shape_cast %get3A_558 : vector<1x128x256xf32> to vector<128x256xf32>
    %logistic3A_560 = arith.negf %get3A_559 : vector<128x256xf32>
    %logistic3A_561 = math.exp %logistic3A_560 : vector<128x256xf32>
    %logistic3A_562 = arith.constant 1.000000e+00 : f32
    %logistic3A_563 = vector.broadcast %logistic3A_562 : f32 to vector<128x256xf32>
    %logistic3A_564 = arith.addf %logistic3A_563, %logistic3A_561 : vector<128x256xf32>
    %logistic3A_565 = arith.divf %logistic3A_563, %logistic3A_564 : vector<128x256xf32>
    %swap3A_566 = arith.constant 0 : index
    %swap3A_567 = arith.constant 31 : index
    %swap3A_568 = arith.constant 0 : index
    %swap3A_569 = arith.constant 0 : index
    %swap3A_570 = vector.load %arg2[%swap3A_566, %swap3A_567, %swap3A_568, %swap3A_569] : memref<1x40x128x256xf32, #tpu.memory_space<vmem>>, vector<1x1x128x256xf32>
    %swap3A_571 = vector.shape_cast %swap3A_570 : vector<1x1x128x256xf32> to vector<128x256xf32>
    %swap3A_572 = vector.shape_cast %logistic3A_565 : vector<128x256xf32> to vector<1x1x128x256xf32>
    tpu.vector_store %arg2[%swap3A_566, %swap3A_567, %swap3A_568, %swap3A_569], %swap3A_572 {strides = array<i32>} : memref<1x40x128x256xf32, #tpu.memory_space<vmem>>, vector<1x1x128x256xf32>,
    %get3A_573 = arith.constant 0 : index
    %get3A_574 = arith.constant 4096 : index
    %get3A_575 = arith.constant 0 : index
    %get3A_576 = vector.load %arg1[%get3A_573, %get3A_574, %get3A_575] : memref<1x5000x256xf32, #tpu.memory_space<vmem>>, vector<1x128x256xf32>
    %get3A_577 = vector.shape_cast %get3A_576 : vector<1x128x256xf32> to vector<128x256xf32>
    %logistic3A_578 = arith.negf %get3A_577 : vector<128x256xf32>
    %logistic3A_579 = math.exp %logistic3A_578 : vector<128x256xf32>
    %logistic3A_580 = arith.constant 1.000000e+00 : f32
    %logistic3A_581 = vector.broadcast %logistic3A_580 : f32 to vector<128x256xf32>
    %logistic3A_582 = arith.addf %logistic3A_581, %logistic3A_579 : vector<128x256xf32>
    %logistic3A_583 = arith.divf %logistic3A_581, %logistic3A_582 : vector<128x256xf32>
    %swap3A_584 = arith.constant 0 : index
    %swap3A_585 = arith.constant 32 : index
    %swap3A_586 = arith.constant 0 : index
    %swap3A_587 = arith.constant 0 : index
    %swap3A_588 = vector.load %arg2[%swap3A_584, %swap3A_585, %swap3A_586, %swap3A_587] : memref<1x40x128x256xf32, #tpu.memory_space<vmem>>, vector<1x1x128x256xf32>
    %swap3A_589 = vector.shape_cast %swap3A_588 : vector<1x1x128x256xf32> to vector<128x256xf32>
    %swap3A_590 = vector.shape_cast %logistic3A_583 : vector<128x256xf32> to vector<1x1x128x256xf32>
    tpu.vector_store %arg2[%swap3A_584, %swap3A_585, %swap3A_586, %swap3A_587], %swap3A_590 {strides = array<i32>} : memref<1x40x128x256xf32, #tpu.memory_space<vmem>>, vector<1x1x128x256xf32>,
    %get3A_591 = arith.constant 0 : index
    %get3A_592 = arith.constant 4224 : index
    %get3A_593 = arith.constant 0 : index
    %get3A_594 = vector.load %arg1[%get3A_591, %get3A_592, %get3A_593] : memref<1x5000x256xf32, #tpu.memory_space<vmem>>, vector<1x128x256xf32>
    %get3A_595 = vector.shape_cast %get3A_594 : vector<1x128x256xf32> to vector<128x256xf32>
    %logistic3A_596 = arith.negf %get3A_595 : vector<128x256xf32>
    %logistic3A_597 = math.exp %logistic3A_596 : vector<128x256xf32>
    %logistic3A_598 = arith.constant 1.000000e+00 : f32
    %logistic3A_599 = vector.broadcast %logistic3A_598 : f32 to vector<128x256xf32>
    %logistic3A_600 = arith.addf %logistic3A_599, %logistic3A_597 : vector<128x256xf32>
    %logistic3A_601 = arith.divf %logistic3A_599, %logistic3A_600 : vector<128x256xf32>
    %swap3A_602 = arith.constant 0 : index
    %swap3A_603 = arith.constant 33 : index
    %swap3A_604 = arith.constant 0 : index
    %swap3A_605 = arith.constant 0 : index
    %swap3A_606 = vector.load %arg2[%swap3A_602, %swap3A_603, %swap3A_604, %swap3A_605] : memref<1x40x128x256xf32, #tpu.memory_space<vmem>>, vector<1x1x128x256xf32>
    %swap3A_607 = vector.shape_cast %swap3A_606 : vector<1x1x128x256xf32> to vector<128x256xf32>
    %swap3A_608 = vector.shape_cast %logistic3A_601 : vector<128x256xf32> to vector<1x1x128x256xf32>
    tpu.vector_store %arg2[%swap3A_602, %swap3A_603, %swap3A_604, %swap3A_605], %swap3A_608 {strides = array<i32>} : memref<1x40x128x256xf32, #tpu.memory_space<vmem>>, vector<1x1x128x256xf32>,
    %get3A_609 = arith.constant 0 : index
    %get3A_610 = arith.constant 4352 : index
    %get3A_611 = arith.constant 0 : index
    %get3A_612 = vector.load %arg1[%get3A_609, %get3A_610, %get3A_611] : memref<1x5000x256xf32, #tpu.memory_space<vmem>>, vector<1x128x256xf32>
    %get3A_613 = vector.shape_cast %get3A_612 : vector<1x128x256xf32> to vector<128x256xf32>
    %logistic3A_614 = arith.negf %get3A_613 : vector<128x256xf32>
    %logistic3A_615 = math.exp %logistic3A_614 : vector<128x256xf32>
    %logistic3A_616 = arith.constant 1.000000e+00 : f32
    %logistic3A_617 = vector.broadcast %logistic3A_616 : f32 to vector<128x256xf32>
    %logistic3A_618 = arith.addf %logistic3A_617, %logistic3A_615 : vector<128x256xf32>
    %logistic3A_619 = arith.divf %logistic3A_617, %logistic3A_618 : vector<128x256xf32>
    %swap3A_620 = arith.constant 0 : index
    %swap3A_621 = arith.constant 34 : index
    %swap3A_622 = arith.constant 0 : index
    %swap3A_623 = arith.constant 0 : index
    %swap3A_624 = vector.load %arg2[%swap3A_620, %swap3A_621, %swap3A_622, %swap3A_623] : memref<1x40x128x256xf32, #tpu.memory_space<vmem>>, vector<1x1x128x256xf32>
    %swap3A_625 = vector.shape_cast %swap3A_624 : vector<1x1x128x256xf32> to vector<128x256xf32>
    %swap3A_626 = vector.shape_cast %logistic3A_619 : vector<128x256xf32> to vector<1x1x128x256xf32>
    tpu.vector_store %arg2[%swap3A_620, %swap3A_621, %swap3A_622, %swap3A_623], %swap3A_626 {strides = array<i32>} : memref<1x40x128x256xf32, #tpu.memory_space<vmem>>, vector<1x1x128x256xf32>,
    %get3A_627 = arith.constant 0 : index
    %get3A_628 = arith.constant 4480 : index
    %get3A_629 = arith.constant 0 : index
    %get3A_630 = vector.load %arg1[%get3A_627, %get3A_628, %get3A_629] : memref<1x5000x256xf32, #tpu.memory_space<vmem>>, vector<1x128x256xf32>
    %get3A_631 = vector.shape_cast %get3A_630 : vector<1x128x256xf32> to vector<128x256xf32>
    %logistic3A_632 = arith.negf %get3A_631 : vector<128x256xf32>
    %logistic3A_633 = math.exp %logistic3A_632 : vector<128x256xf32>
    %logistic3A_634 = arith.constant 1.000000e+00 : f32
    %logistic3A_635 = vector.broadcast %logistic3A_634 : f32 to vector<128x256xf32>
    %logistic3A_636 = arith.addf %logistic3A_635, %logistic3A_633 : vector<128x256xf32>
    %logistic3A_637 = arith.divf %logistic3A_635, %logistic3A_636 : vector<128x256xf32>
    %swap3A_638 = arith.constant 0 : index
    %swap3A_639 = arith.constant 35 : index
    %swap3A_640 = arith.constant 0 : index
    %swap3A_641 = arith.constant 0 : index
    %swap3A_642 = vector.load %arg2[%swap3A_638, %swap3A_639, %swap3A_640, %swap3A_641] : memref<1x40x128x256xf32, #tpu.memory_space<vmem>>, vector<1x1x128x256xf32>
    %swap3A_643 = vector.shape_cast %swap3A_642 : vector<1x1x128x256xf32> to vector<128x256xf32>
    %swap3A_644 = vector.shape_cast %logistic3A_637 : vector<128x256xf32> to vector<1x1x128x256xf32>
    tpu.vector_store %arg2[%swap3A_638, %swap3A_639, %swap3A_640, %swap3A_641], %swap3A_644 {strides = array<i32>} : memref<1x40x128x256xf32, #tpu.memory_space<vmem>>, vector<1x1x128x256xf32>,
    %get3A_645 = arith.constant 0 : index
    %get3A_646 = arith.constant 4608 : index
    %get3A_647 = arith.constant 0 : index
    %get3A_648 = vector.load %arg1[%get3A_645, %get3A_646, %get3A_647] : memref<1x5000x256xf32, #tpu.memory_space<vmem>>, vector<1x128x256xf32>
    %get3A_649 = vector.shape_cast %get3A_648 : vector<1x128x256xf32> to vector<128x256xf32>
    %logistic3A_650 = arith.negf %get3A_649 : vector<128x256xf32>
    %logistic3A_651 = math.exp %logistic3A_650 : vector<128x256xf32>
    %logistic3A_652 = arith.constant 1.000000e+00 : f32
    %logistic3A_653 = vector.broadcast %logistic3A_652 : f32 to vector<128x256xf32>
    %logistic3A_654 = arith.addf %logistic3A_653, %logistic3A_651 : vector<128x256xf32>
    %logistic3A_655 = arith.divf %logistic3A_653, %logistic3A_654 : vector<128x256xf32>
    %swap3A_656 = arith.constant 0 : index
    %swap3A_657 = arith.constant 36 : index
    %swap3A_658 = arith.constant 0 : index
    %swap3A_659 = arith.constant 0 : index
    %swap3A_660 = vector.load %arg2[%swap3A_656, %swap3A_657, %swap3A_658, %swap3A_659] : memref<1x40x128x256xf32, #tpu.memory_space<vmem>>, vector<1x1x128x256xf32>
    %swap3A_661 = vector.shape_cast %swap3A_660 : vector<1x1x128x256xf32> to vector<128x256xf32>
    %swap3A_662 = vector.shape_cast %logistic3A_655 : vector<128x256xf32> to vector<1x1x128x256xf32>
    tpu.vector_store %arg2[%swap3A_656, %swap3A_657, %swap3A_658, %swap3A_659], %swap3A_662 {strides = array<i32>} : memref<1x40x128x256xf32, #tpu.memory_space<vmem>>, vector<1x1x128x256xf32>,
    %get3A_663 = arith.constant 0 : index
    %get3A_664 = arith.constant 4736 : index
    %get3A_665 = arith.constant 0 : index
    %get3A_666 = vector.load %arg1[%get3A_663, %get3A_664, %get3A_665] : memref<1x5000x256xf32, #tpu.memory_space<vmem>>, vector<1x128x256xf32>
    %get3A_667 = vector.shape_cast %get3A_666 : vector<1x128x256xf32> to vector<128x256xf32>
    %logistic3A_668 = arith.negf %get3A_667 : vector<128x256xf32>
    %logistic3A_669 = math.exp %logistic3A_668 : vector<128x256xf32>
    %logistic3A_670 = arith.constant 1.000000e+00 : f32
    %logistic3A_671 = vector.broadcast %logistic3A_670 : f32 to vector<128x256xf32>
    %logistic3A_672 = arith.addf %logistic3A_671, %logistic3A_669 : vector<128x256xf32>
    %logistic3A_673 = arith.divf %logistic3A_671, %logistic3A_672 : vector<128x256xf32>
    %swap3A_674 = arith.constant 0 : index
    %swap3A_675 = arith.constant 37 : index
    %swap3A_676 = arith.constant 0 : index
    %swap3A_677 = arith.constant 0 : index
    %swap3A_678 = vector.load %arg2[%swap3A_674, %swap3A_675, %swap3A_676, %swap3A_677] : memref<1x40x128x256xf32, #tpu.memory_space<vmem>>, vector<1x1x128x256xf32>
    %swap3A_679 = vector.shape_cast %swap3A_678 : vector<1x1x128x256xf32> to vector<128x256xf32>
    %swap3A_680 = vector.shape_cast %logistic3A_673 : vector<128x256xf32> to vector<1x1x128x256xf32>
    tpu.vector_store %arg2[%swap3A_674, %swap3A_675, %swap3A_676, %swap3A_677], %swap3A_680 {strides = array<i32>} : memref<1x40x128x256xf32, #tpu.memory_space<vmem>>, vector<1x1x128x256xf32>,
    %get3A_681 = arith.constant 0 : index
    %get3A_682 = arith.constant 4864 : index
    %get3A_683 = arith.constant 0 : index
    %get3A_684 = vector.load %arg1[%get3A_681, %get3A_682, %get3A_683] : memref<1x5000x256xf32, #tpu.memory_space<vmem>>, vector<1x128x256xf32>
    %get3A_685 = vector.shape_cast %get3A_684 : vector<1x128x256xf32> to vector<128x256xf32>
    %logistic3A_686 = arith.negf %get3A_685 : vector<128x256xf32>
    %logistic3A_687 = math.exp %logistic3A_686 : vector<128x256xf32>
    %logistic3A_688 = arith.constant 1.000000e+00 : f32
    %logistic3A_689 = vector.broadcast %logistic3A_688 : f32 to vector<128x256xf32>
    %logistic3A_690 = arith.addf %logistic3A_689, %logistic3A_687 : vector<128x256xf32>
    %logistic3A_691 = arith.divf %logistic3A_689, %logistic3A_690 : vector<128x256xf32>
    %swap3A_692 = arith.constant 0 : index
    %swap3A_693 = arith.constant 38 : index
    %swap3A_694 = arith.constant 0 : index
    %swap3A_695 = arith.constant 0 : index
    %swap3A_696 = vector.load %arg2[%swap3A_692, %swap3A_693, %swap3A_694, %swap3A_695] : memref<1x40x128x256xf32, #tpu.memory_space<vmem>>, vector<1x1x128x256xf32>
    %swap3A_697 = vector.shape_cast %swap3A_696 : vector<1x1x128x256xf32> to vector<128x256xf32>
    %swap3A_698 = vector.shape_cast %logistic3A_691 : vector<128x256xf32> to vector<1x1x128x256xf32>
    tpu.vector_store %arg2[%swap3A_692, %swap3A_693, %swap3A_694, %swap3A_695], %swap3A_698 {strides = array<i32>} : memref<1x40x128x256xf32, #tpu.memory_space<vmem>>, vector<1x1x128x256xf32>,
    %get3A_699 = arith.constant 0 : index
    %get3A_700 = arith.constant 4992 : index
    %get3A_701 = arith.constant 0 : index
    %get3A_702 = vector.load %arg1[%get3A_699, %get3A_700, %get3A_701] : memref<1x5000x256xf32, #tpu.memory_space<vmem>>, vector<1x8x256xf32>
    %get3A_703 = vector.shape_cast %get3A_702 : vector<1x8x256xf32> to vector<8x256xf32>
    %logistic3A_704 = arith.negf %get3A_703 : vector<8x256xf32>
    %logistic3A_705 = math.exp %logistic3A_704 : vector<8x256xf32>
    %logistic3A_706 = arith.constant 1.000000e+00 : f32
    %logistic3A_707 = vector.broadcast %logistic3A_706 : f32 to vector<8x256xf32>
    %logistic3A_708 = arith.addf %logistic3A_707, %logistic3A_705 : vector<8x256xf32>
    %logistic3A_709 = arith.divf %logistic3A_707, %logistic3A_708 : vector<8x256xf32>
    %swap3A_710 = arith.constant 0 : index
    %swap3A_711 = arith.constant 39 : index
    %swap3A_712 = arith.constant 0 : index
    %swap3A_713 = arith.constant 0 : index
    %swap3A_714 = vector.load %arg2[%swap3A_710, %swap3A_711, %swap3A_712, %swap3A_713] : memref<1x40x128x256xf32, #tpu.memory_space<vmem>>, vector<1x1x8x256xf32>
    %swap3A_715 = vector.shape_cast %swap3A_714 : vector<1x1x8x256xf32> to vector<8x256xf32>
    %swap3A_716 = vector.shape_cast %logistic3A_709 : vector<8x256xf32> to vector<1x1x8x256xf32>
    tpu.vector_store %arg2[%swap3A_710, %swap3A_711, %swap3A_712, %swap3A_713], %swap3A_716 {strides = array<i32>} : memref<1x40x128x256xf32, #tpu.memory_space<vmem>>, vector<1x1x8x256xf32>,
    %broadcast_in_dim3A = arith.constant -1.000000e+00 : f32
    %broadcast_in_dim3A_717 = vector.broadcast %broadcast_in_dim3A : f32 to vector<120x256xf32>
    %swap3A_718 = arith.constant 0 : index
    %swap3A_719 = arith.constant 39 : index
    %swap3A_720 = arith.constant 8 : index
    %swap3A_721 = arith.constant 0 : index
    %swap3A_722 = vector.load %arg2[%swap3A_718, %swap3A_719, %swap3A_720, %swap3A_721] : memref<1x40x128x256xf32, #tpu.memory_space<vmem>>, vector<1x1x120x256xf32>
    %swap3A_723 = vector.shape_cast %swap3A_722 : vector<1x1x120x256xf32> to vector<120x256xf32>
    %swap3A_724 = vector.shape_cast %broadcast_in_dim3A_717 : vector<120x256xf32> to vector<1x1x120x256xf32>
    tpu.vector_store %arg2[%swap3A_718, %swap3A_719, %swap3A_720, %swap3A_721], %swap3A_724 {strides = array<i32>} : memref<1x40x128x256xf32, #tpu.memory_space<vmem>>, vector<1x1x120x256xf32>,
    %iota3A = tpu.iota {dimensions = array<i32: 2>} : vector<40x128x256xi32>
    %get3A_725 = arith.constant 0 : index
    %get3A_726 = arith.constant 0 : index
    %get3A_727 = arith.constant 0 : index
    %get3A_728 = arith.constant 0 : index
    %get3A_729 = vector.load %arg2[%get3A_725, %get3A_726, %get3A_727, %get3A_728] : memref<1x40x128x256xf32, #tpu.memory_space<vmem>>, vector<1x40x128x256xf32>
    %get3A_730 = vector.shape_cast %get3A_729 : vector<1x40x128x256xf32> to vector<40x128x256xf32>
    %reduce_max3A = arith.constant dense<0xFF800000> : vector<40x128xf32>
    %reduce_max3A_731 = vector.multi_reduction <maximumf>, %get3A_730, %reduce_max3A [2] : vector<40x128x256xf32> to vector<40x128xf32>
    %broadcast_in_dim3A_732 = vector.shape_cast %reduce_max3A_731 : vector<40x128xf32> to vector<40x128x1xf32>
    %eq3A = vector.broadcast %broadcast_in_dim3A_732 : vector<40x128x1xf32> to vector<40x128x256xf32>
    %eq3A_733 = arith.cmpf oeq, %get3A_730, %eq3A : vector<40x128x256xf32>
    %jit3A = arith.constant 1073741824 : i32
    %broadcast_in_dim3A_734 = vector.broadcast %jit3A : i32 to vector<40x128x256xi32>
    %select_n3A = arith.select %eq3A_733, %iota3A, %broadcast_in_dim3A_734 : vector<40x128x256xi1>, vector<40x128x256xi32>
    %reduce_min3A = arith.constant dense<2147483647> : vector<40x128xi32>
    %reduce_min3A_735 = vector.multi_reduction <minsi>, %select_n3A, %reduce_min3A [2] : vector<40x128x256xi32> to vector<40x128xi32>
    %broadcast_in_dim3A_736 = vector.shape_cast %reduce_max3A_731 : vector<40x128xf32> to vector<40x128x1xf32>
    %lt3A = vector.broadcast %broadcast_in_dim3A_736 : vector<40x128x1xf32> to vector<40x128x256xf32>
    %lt3A_737 = arith.cmpf olt, %get3A_730, %lt3A : vector<40x128x256xf32>
    %broadcast_in_dim3A_738 = vector.shape_cast %reduce_max3A_731 : vector<40x128xf32> to vector<40x128x1xf32>
    %eq3A_739 = vector.broadcast %broadcast_in_dim3A_738 : vector<40x128x1xf32> to vector<40x128x256xf32>
    %eq3A_740 = arith.cmpf oeq, %get3A_730, %eq3A_739 : vector<40x128x256xf32>
    %broadcast_in_dim3A_741 = vector.shape_cast %reduce_min3A_735 : vector<40x128xi32> to vector<40x128x1xi32>
    %gt3A = vector.broadcast %broadcast_in_dim3A_741 : vector<40x128x1xi32> to vector<40x128x256xi32>
    %gt3A_742 = arith.cmpi sgt, %iota3A, %gt3A : vector<40x128x256xi32>
    %and3A = arith.andi %eq3A_740, %gt3A_742 : vector<40x128x256xi1>
    %or3A = arith.ori %lt3A_737, %and3A : vector<40x128x256xi1>
    %jit3A_743 = arith.constant -1.000000e+00 : f32
    %broadcast_in_dim3A_744 = vector.broadcast %jit3A_743 : f32 to vector<40x128x256xf32>
    %select_n3A_745 = arith.select %or3A, %get3A_730, %broadcast_in_dim3A_744 : vector<40x128x256xi1>, vector<40x128x256xf32>
    %reduce_max3A_746 = arith.constant dense<0xFF800000> : vector<40x128xf32>
    %reduce_max3A_747 = vector.multi_reduction <maximumf>, %select_n3A_745, %reduce_max3A_746 [2] : vector<40x128x256xf32> to vector<40x128xf32>
    %broadcast_in_dim3A_748 = vector.shape_cast %reduce_max3A_747 : vector<40x128xf32> to vector<40x128x1xf32>
    %eq3A_749 = vector.broadcast %broadcast_in_dim3A_748 : vector<40x128x1xf32> to vector<40x128x256xf32>
    %eq3A_750 = arith.cmpf oeq, %select_n3A_745, %eq3A_749 : vector<40x128x256xf32>
    %jit3A_751 = arith.constant 1073741824 : i32
    %broadcast_in_dim3A_752 = vector.broadcast %jit3A_751 : i32 to vector<40x128x256xi32>
    %select_n3A_753 = arith.select %eq3A_750, %iota3A, %broadcast_in_dim3A_752 : vector<40x128x256xi1>, vector<40x128x256xi32>
    %reduce_min3A_754 = arith.constant dense<2147483647> : vector<40x128xi32>
    %reduce_min3A_755 = vector.multi_reduction <minsi>, %select_n3A_753, %reduce_min3A_754 [2] : vector<40x128x256xi32> to vector<40x128xi32>
    %swap3A_756 = arith.constant 0 : index
    %swap3A_757 = arith.constant 0 : index
    %swap3A_758 = arith.constant 0 : index
    %swap3A_759 = arith.constant 0 : index
    %swap3A_760 = vector.load %arg3[%swap3A_756, %swap3A_757, %swap3A_758, %swap3A_759] : memref<1x2x40x128xf32, #tpu.memory_space<vmem>>, vector<1x1x40x128xf32>
    %swap3A_761 = vector.shape_cast %swap3A_760 : vector<1x1x40x128xf32> to vector<40x128xf32>
    %swap3A_762 = vector.shape_cast %reduce_max3A_731 : vector<40x128xf32> to vector<1x1x40x128xf32>
    tpu.vector_store %arg3[%swap3A_756, %swap3A_757, %swap3A_758, %swap3A_759], %swap3A_762 {strides = array<i32>} : memref<1x2x40x128xf32, #tpu.memory_space<vmem>>, vector<1x1x40x128xf32>,
    %swap3A_763 = arith.constant 0 : index
    %swap3A_764 = arith.constant 1 : index
    %swap3A_765 = arith.constant 0 : index
    %swap3A_766 = arith.constant 0 : index
    %swap3A_767 = vector.load %arg3[%swap3A_763, %swap3A_764, %swap3A_765, %swap3A_766] : memref<1x2x40x128xf32, #tpu.memory_space<vmem>>, vector<1x1x40x128xf32>
    %swap3A_768 = vector.shape_cast %swap3A_767 : vector<1x1x40x128xf32> to vector<40x128xf32>
    %swap3A_769 = vector.shape_cast %reduce_max3A_747 : vector<40x128xf32> to vector<1x1x40x128xf32>
    tpu.vector_store %arg3[%swap3A_763, %swap3A_764, %swap3A_765, %swap3A_766], %swap3A_769 {strides = array<i32>} : memref<1x2x40x128xf32, #tpu.memory_space<vmem>>, vector<1x1x40x128xf32>,
    %swap3A_770 = arith.constant 0 : index
    %swap3A_771 = arith.constant 0 : index
    %swap3A_772 = arith.constant 0 : index
    %swap3A_773 = arith.constant 0 : index
    %swap3A_774 = vector.load %arg4[%swap3A_770, %swap3A_771, %swap3A_772, %swap3A_773] : memref<1x2x40x128xi32, #tpu.memory_space<vmem>>, vector<1x1x40x128xi32>
    %swap3A_775 = vector.shape_cast %swap3A_774 : vector<1x1x40x128xi32> to vector<40x128xi32>
    %swap3A_776 = vector.shape_cast %reduce_min3A_735 : vector<40x128xi32> to vector<1x1x40x128xi32>
    tpu.vector_store %arg4[%swap3A_770, %swap3A_771, %swap3A_772, %swap3A_773], %swap3A_776 {strides = array<i32>} : memref<1x2x40x128xi32, #tpu.memory_space<vmem>>, vector<1x1x40x128xi32>,
    %swap3A_777 = arith.constant 0 : index
    %swap3A_778 = arith.constant 1 : index
    %swap3A_779 = arith.constant 0 : index
    %swap3A_780 = arith.constant 0 : index
    %swap3A_781 = vector.load %arg4[%swap3A_777, %swap3A_778, %swap3A_779, %swap3A_780] : memref<1x2x40x128xi32, #tpu.memory_space<vmem>>, vector<1x1x40x128xi32>
    %swap3A_782 = vector.shape_cast %swap3A_781 : vector<1x1x40x128xi32> to vector<40x128xi32>
    %swap3A_783 = vector.shape_cast %reduce_min3A_755 : vector<40x128xi32> to vector<1x1x40x128xi32>
    tpu.vector_store %arg4[%swap3A_777, %swap3A_778, %swap3A_779, %swap3A_780], %swap3A_783 {strides = array<i32>} : memref<1x2x40x128xi32, #tpu.memory_space<vmem>>, vector<1x1x40x128xi32>,
    return
  }
  func.func @transform_0(%arg0: i32) -> (i32, i32, i32) {
    %c0_i32 = arith.constant 0 : i32
    %c0_i32_0 = arith.constant 0 : i32
    %c0_i32_1 = arith.constant 0 : i32
    return %arg0, %c0_i32, %c0_i32_0 : i32, i32, i32
  }
  func.func @transform_1(%arg0: i32) -> (i32, i32, i32, i32) {
    %c0_i32 = arith.constant 0 : i32
    %c0_i32_0 = arith.constant 0 : i32
    %c0_i32_1 = arith.constant 0 : i32
    %c0_i32_2 = arith.constant 0 : i32
    return %arg0, %c0_i32, %c0_i32_0, %c0_i32_1 : i32, i32, i32, i32
  }
  func.func @transform_2(%arg0: i32) -> (i32, i32, i32, i32) {
    %c0_i32 = arith.constant 0 : i32
    %c0_i32_0 = arith.constant 0 : i32
    %c0_i32_1 = arith.constant 0 : i32
    %c0_i32_2 = arith.constant 0 : i32
    return %arg0, %c0_i32, %c0_i32_0, %c0_i32_1 : i32, i32, i32, i32
  }
  func.func @transform_3(%arg0: i32) -> (i32, i32, i32, i32) {
    %c0_i32 = arith.constant 0 : i32
    %c0_i32_0 = arith.constant 0 : i32
    %c0_i32_1 = arith.constant 0 : i32
    %c0_i32_2 = arith.constant 0 : i32
    return %arg0, %c0_i32, %c0_i32_0, %c0_i32_1 : i32, i32, i32, i32
  }
}

</mosaic_0001>

<sc_bundles>
// kernel: kernel.4.cloned.1.call-start
scs
__scs_entry_jumppad:
0x0: {  	(pc) =	sbr.rel $0x88, $3  }
0x1: {  	(tag) =	ssettag $0x0;
	lr =	simm.s32 $0x1  }
0x2: {  	[smem:$0x3F9E] =	sst lr;
	_ =	strace $0xD0000000  }
0x3: {  	_ = 	snop  }
0x4: {  	_ = 	snop  }
0x5: {  	_ = 	snop  }
0x6: {  	_ = 	snop  }
0x7: {  	_ = 	snop  }
__scs_overlays_trampoline_lowered:
0x8: {  	[smem:$0x3FAD] =	sst s0  }
0x9: {  	[smem:$0x3FAE] =	sst s1  }
0xa: {  	[smem:$0x3FAF] =	sst s2  }
0xb: {  	[smem:$0x3FB0] =	sst s3  }
0xc: {  	[smem:$0x3FB1] =	sst s4  }
0xd: {  	[smem:$0x3FB2] =	sst s5  }
0xe: {  	[smem:$0x3FB3] =	sst s6  }
0xf: {  	[smem:$0x3FB4] =	sst s7  }
0x10: {  	[smem:$0x3FB5] =	sst s8  }
0x11: {  	[smem:$0x3FB6] =	sst s9;
	s0 =	simm.s32 @!p0 $0x0  }
0x12: {  	s1 =	sld [smem:$0x3F9C];
	s0 =	simm.s32 @p0 $0x1  }
0x13: {  	[smem:$0x3FB7] =	sst s0;
	s0 =	simm.s32 @!p1 $0x0  }
0x14: {  	s2 =	sld [smem:$0x3F9B];
	s0 =	simm.s32 @p1 $0x1  }
0x15: {  	[smem:$0x3FB8] =	sst s0;
	s0 =	simm.s32 @!p2 $0x0  }
0x16: {  	s3 =	sld [smem:$0x3FDB];
	s0 =	simm.s32 @p2 $0x1  }
0x17: {  	s4 =	simm.s32 $0x1BF5;
	[smem:$0x3FBA] =	sst s0  }
0x18: {  	s0 =	sld [smem:$0x3F9D];
	_ =	swait.ge [sflag:s4], $0x0  }
0x19: {  	s7 =	sld [smem:$0x3F9E]  }
0x1a: {  	s8 =	sadd.s32 $0xFFFFE003, lr  }
0x1b: {  	s9 =	sadd.s32 $0xFFFFFEF7, lr;
	s5 =	simm.s32 $0xFFFFFFFF;
	p2 =	slt.u32 s8, $0xFFFFF086  }
0x1c: {  	p1 =	slt.u32 s9, $0xF7A;
	s5 =	simm.s32 @!p2 $0x0  }
0x1d: {  	s5 =	simm.s32 @p1 $0x1;
	p0 =	seq.s32 s7, s2  }
0x1e: {  	s7 =	smul.u32 @!p0 $0xF7A, s2;
	p2 =	seq.s32 @!p0 s5, $0x0  }
0x1f: {  	s9 =	smul.u32 $0xF7A, s1;
	s8 =	simm.s32 @!p0 $0x1BF5;
	p2 =	por !p2, p0  }
0x20: {  	[sflag:s8] =	ssyncset.s32 @!p0 $0xFFFFF086;
	s6 =	sadd.s32 @!p0 s3, s7;
	s7 =	simm.s32 @!p0 $0x108  }
0x21: {  	s3 =	sadd.s32 s3, s9;
	s6 =	sadd.s32 @!p0 $0x88, s6;
	s7 =	simm.s32 @p2 $0x1082  }
0x22: {  	[simem:s7], [sflag:s8] =	dma.local @!p0 [hbm:s6], $0xF7A  }
0x23: {  	s9 =	sor.u32 $0xD0000000, s2;
	s6 =	simm.s32 $0x108;
	_ =	swait.ge @!p0 [sflag:s8], $0x0  }
0x24: {  	s3 =	sadd.s32 $0x88, s3;
	s6 =	simm.s32 @!p1 $0x1082;
	[sflag:s4] =	ssyncset.s32 $0xFFFFF086  }
0x25: {  	[simem:s6], [sflag:s4] =	dma.local [hbm:s3], $0xF7A  }
0x26: {  	[smem:$0x3F9E] =	sst s1;
	(tag) =	ssettag s2;
	_ =	strace s9  }
0x27: {  	s1 =	sld [smem:$0x3FAE]  }
0x28: {  	s2 =	sld [smem:$0x3FAF]  }
0x29: {  	s4 =	sld [smem:$0x3FB1]  }
0x2a: {  	p0 =	seq.s32 s5, $0x0;
	s5 =	sld [smem:$0x3FB2]  }
0x2b: {  	s6 =	sld [smem:$0x3FB3]  }
0x2c: {  	s7 =	sld [smem:$0x3FB4]  }
0x2d: {  	s3 =	simm.s32 $0x108;
	s8 =	sld [smem:$0x3FB5]  }
0x2e: {  	s3 =	simm.s32 @!p0 $0x1082;
	s9 =	sld [smem:$0x3FB6]  }
0x2f: {  	lr =	sadd.s32 s0, s3;
	s0 =	sld [smem:$0x3FAD]  }
0x30: {  	s3 =	sld [smem:$0x3FB0]  }
0x31: {  	[smem:$0x3FB9] =	sst s10  }
0x32: {  	s10 =	sld [smem:$0x3FB7];
	_ =	sdelay $0x3  }
0x33: {  	p0 =	seq.s32 s10, $0x1;
	s10 =	sld [smem:$0x3FB9];
	_ =	sdelay $0x3  }
0x34: {  	[smem:$0x3FB9] =	sst s10  }
0x35: {  	s10 =	sld [smem:$0x3FB8];
	_ =	sdelay $0x3  }
0x36: {  	p1 =	seq.s32 s10, $0x1;
	s10 =	sld [smem:$0x3FB9];
	_ =	sdelay $0x3  }
0x37: {  	[smem:$0x3FB9] =	sst s10  }
0x38: {  	s10 =	sld [smem:$0x3FBA]  }
0x39: {  	_ = 	snop;
	(pc) =	sbr.ind lr, $3  }
0x3a: {  	_ = 	snop  }
0x3b: {  	_ = 	snop  }
0x3c: {  	p2 =	seq.s32 s10, $0x1;
	s10 =	sld [smem:$0x3FB9]  }
0x3d: {  	_ =	shalt  }
0x3e: {  	_ =	shalt  }
0x3f: {  	_ =	shalt  }
0x40: {  	_ =	shalt  }
0x41: {  	_ =	shalt  }
0x42: {  	_ =	shalt  }
0x43: {  	_ =	shalt  }
0x44: {  	_ =	shalt  }
0x45: {  	_ =	shalt  }
0x46: {  	_ =	shalt  }
0x47: {  	_ =	shalt  }
0x48: {  	_ =	shalt  }
0x49: {  	_ =	shalt  }
0x4a: {  	_ =	shalt  }
0x4b: {  	_ =	shalt  }
0x4c: {  	_ =	shalt  }
0x4d: {  	_ =	shalt  }
0x4e: {  	_ =	shalt  }
0x4f: {  	_ =	shalt  }
0x50: {  	_ =	shalt  }
0x51: {  	_ =	shalt  }
0x52: {  	_ =	shalt  }
0x53: {  	_ =	shalt  }
0x54: {  	_ =	shalt  }
0x55: {  	_ =	shalt  }
0x56: {  	_ =	shalt  }
0x57: {  	_ =	shalt  }
0x58: {  	_ =	shalt  }
0x59: {  	_ =	shalt  }
0x5a: {  	_ =	shalt  }
0x5b: {  	_ =	shalt  }
0x5c: {  	_ =	shalt  }
0x5d: {  	_ =	shalt  }
0x5e: {  	_ =	shalt  }
0x5f: {  	_ =	shalt  }
0x60: {  	_ =	shalt  }
0x61: {  	_ =	shalt  }
0x62: {  	_ =	shalt  }
0x63: {  	_ =	shalt  }
0x64: {  	_ =	shalt  }
0x65: {  	_ =	shalt  }
0x66: {  	_ =	shalt  }
0x67: {  	_ =	shalt  }
0x68: {  	_ =	shalt  }
0x69: {  	_ =	shalt  }
0x6a: {  	_ =	shalt  }
0x6b: {  	_ =	shalt  }
0x6c: {  	_ =	shalt  }
0x6d: {  	_ =	shalt  }
0x6e: {  	_ =	shalt  }
0x6f: {  	_ =	shalt  }
0x70: {  	_ =	shalt  }
0x71: {  	_ =	shalt  }
0x72: {  	_ =	shalt  }
0x73: {  	_ =	shalt  }
0x74: {  	_ =	shalt  }
0x75: {  	_ =	shalt  }
0x76: {  	_ =	shalt  }
0x77: {  	_ =	shalt  }
0x78: {  	_ =	shalt  }
0x79: {  	_ =	shalt  }
0x7a: {  	_ =	shalt  }
0x7b: {  	_ =	shalt  }
0x7c: {  	_ =	shalt  }
0x7d: {  	_ =	shalt  }
0x7e: {  	_ =	shalt  }
0x7f: {  	_ =	shalt  }
0x80: {  	_ =	shalt  }
0x81: {  	_ =	shalt  }
0x82: {  	_ =	shalt  }
0x83: {  	_ =	shalt  }
0x84: {  	_ =	shalt  }
0x85: {  	_ =	shalt  }
0x86: {  	_ =	shalt  }
0x87: {  	_ =	shalt  }
.Lfunc_end0:
.L_simem_size_0:
called_computation.1_lowered:
.L_overlay_start_0:
0x88: {  	s2 =	sld [smem:$0x3FD9]  }
0x89: {  	s3 =	sld [smem:$0x3FFE];
	_ =	sdelay $0x1  }
0x8a: {  	s1 =	srdreg.scid  }
0x8b: {  	s0 =	sand.u32 $0x1, s1  }
0x8c: {  	s14 =	sshll.u32 s0, $0xA;
	s2 =	sadd.s32 s3, s2  }
0x8d: {  	s2 =	sadd.s32 s2, s14  }
0x8e: {  	[smem:$0x3FC5] =	sst s2  }
0x8f: {  	_ = 	snop  }
0x90: {  	s2 =	sld [smem:$0x3FD0];
	_ =	sdelay $0x2  }
0x91: {  	s15 =	simm.s32 $0xA;
	s4 =	simm.s32 $0x10  }
0x92: {  	[smem:s4], [sflag:s15] =	dma.local [hbm:s2], $0x1  }
0x93: {  	_ =	swait.eq [sflag:s15], $0x1  }
0x94: {  	[sflag:s15] =	ssyncset.done $0x0  }
0x95: {  	s16 =	sld [smem:$0x11];
	[sflag:s15] =	ssyncadd.s32 $0xFFFFFFFF  }
0x96: {  	s17 =	sld [smem:$0x12];
	(tm) =	ssettm $0x1  }
0x97: {  	s18 =	sld [smem:$0x3FFB];
	_ =	sdelay $0x3  }
0x98: {  	_ =	strace s18  }
0x99: {  	s4 =	sld [smem:$0x3FFC];
	_ =	sdelay $0x3  }
0x9a: {  	_ =	strace s4  }
0x9b: {  	s4 =	sld [smem:$0x3FFD];
	_ =	sdelay $0x3  }
0x9c: {  	_ =	strace s4  }
0x9d: {  	_ =	strace $0x8FFFFFFF  }
0x9e: {  	s19 =	sld [smem:$0x3FDB];
	_ =	sdelay $0x1  }
0x9f: {  	s5 =	simm.s32 $_scs_section_size  }
0xa0: {  	s6 =	simm.s32 $_size__tile_overlayer_lowered;
	s7 =	simm.s32 $_tile_overlayer_lowered  }
0xa1: {  	s22 =	simm.s32 $0x1BFF;
	s21 =	sshll.u32 s7, $0x1;
	s4 =	sadd.s32 s5, s19  }
0xa2: {  	s8 =	simm.s32 $0x0;
	s20 =	sshll.u32 s6, $0x1;
	s6 =	sadd.s32 s21, s4  }
0xa3: {  	[timem:s8], [sflag:s22] =	dma.local [hbm:s6], s20  }
0xa4: {  	_ =	swait.ge [sflag:s22], s20  }
0xa5: {  	s5 =	ssub.s32 $0x0, s20;
	[sflag:s22] =	ssyncset.done $0x0  }
0xa6: {  	[sflag:s22] =	ssyncadd.s32 s5;
	_ =	sdelay $0x1  }
0xa7: {  	s23 =	simm.s32 $0x1B8B  }
0xa8: {  	_ =	swait.ge [sflag:s23], $0x1  }
0xa9: {  	[sflag:s23] =	ssyncset.done $0x0  }
0xaa: {  	s25 =	simm.s32 $0x1B8E;
	s24 =	sld [smem:$0x3FFE];
	[sflag:s23] =	ssyncadd.s32 $0xFFFFFFFF  }
0xab: {  	s26 =	simm.s32 $execute0_lowered;
	[smem:$0x3FD2] =	sst s25  }
0xac: {  	s6 =	sshll.u32 s26, $0x1;
	_ =	strace $0x80000049;
	[dreg:$0x1] =	wrdreg $0xFFFFFFFF  }
0xad: {  	s28 =	simm.s32 $_size_execute0_lowered;
	s4 =	sadd.s32 s4, s6;
	[dreg:$0x0] =	wrdreg $0x0  }
0xae: {  	s6 =	sshll.u32 s28, $0x1;
	[dreg:$0x2] =	wrdreg s4  }
0xaf: {  	[dreg:$0x3] =	wrdreg s6  }
0xb0: {  	[dreg:$0x4] =	wrdreg $0xC0  }
0xb1: {  	_ =	task [dreg:s8], $0x5FFFF  }
0xb2: {  	[dreg:$0x1] =	wrdreg $0xFFFFFFFF  }
0xb3: {  	[dreg:$0x0] =	wrdreg $0x60  }
0xb4: {  	[dreg:$0x2] =	wrdreg s24  }
0xb5: {  	[dreg:$0x3] =	wrdreg s16  }
0xb6: {  	[dreg:$0x4] =	wrdreg s17  }
0xb7: {  	[dreg:$0x5] =	wrdreg $0x9  }
0xb8: {  	_ =	task.clear_ibuf [dreg:s8], $0x6FFFF;
	_ =	strace $0x90000049  }
0xb9: {  	s29 =	simm.s32 $0x9;
	_ =	strace $0x8000004B  }
0xba: {  	_ =	swait.ge [sflag:s29], $0x1  }
0xbb: {  	[sflag:s29] =	ssyncadd.s32 $0xFFFFFFFF  }
0xbc: {  	_ =	strace $0x9000004B  }
0xbd: {  	_ =	sfence  }
0xbe: {  	s30 =	sld [smem:$0x0];
	_ =	sdelay $0x2  }
0xbf: {  	s31 =	sshll.u32 s1, $0xD;
	s1 =	sshrl.u32 s1, $0x2  }
0xc0: {  	s3 =	sand.u32 $0x4000, s31;
	s1 =	sadd.s32 s1, s30  }
0xc1: {  	s0 =	sor.u32 s3, s0;
	s1 =	sshll.u32 s1, $0x11  }
0xc2: {  	s0 =	sor.u32 s1, s0  }
0xc3: {  	s0 =	sadd.s32 $0x8F2B, s0  }
0xc4: {  	[sflag:s0] =	ssyncadd.remote.s32 $0x1  }
0xc5: {  	_ =	sfence.sel $0xFFFF  }
0xc6: {  	[dreg:$0x0] =	wrdreg $0xFFFFFFFF;
	(pc) =	sbr.abs _section_cstart, $3  }
0xc7: {  	[dreg:$0x1] =	wrdreg $0xFFFFFFFF  }
0xc8: {  	_ =	task.clear_ibuf [dreg:s8], $0x2FFFF;
	_ =	strace $0x9FFFFFFF  }
0xc9: {  	(tm) =	ssettm $0x7FFFFFFF  }
tec
execute0_lowered:
.L_overlay_start_1:
0x0: {  	(tag) =	ssettag $0x1  }
0x1: {  	s1 =	srdreg.scid  }
0x2: {  	s0 =	stileid.u32;
	s4 =	rddreg [dreg:$0x0]  }
0x3: {  	s8 =	rddreg [dreg:$0x1];
	s5 =	sand.u32 $0x1, s1;
	s29 =	sshll.u32 s0, $0x1  }
0x4: {  	s10 =	rddreg [dreg:$0x2];
	s7 =	sor.u32 s5, s29  }
0x5: {  	s2 =	simm.s32 $0x0;
	s15 =	simm.s32 $0xDD00;
	s3 =	smul.u32 $0x500, s7  }
0x6: {  	s16 =	simm.s32 $0xDE80;
	s17 =	simm.s32 $0xE180;
	s6 =	smul.u32 $0x9C4, s7  }
0x7: {  	s18 =	simm.s32 $0x0;
	s1 =	rddreg [dreg:$0x3];
	s9 =	smul.u32 $0x26, s7  }
0x8: {  	[smem:$0x7FF] =	sst s2;
	s13 =	ssub.s32 $0x2, s5;
	s31 =	smul.u32 $0x98, s7  }
0x9: {  	_ =	strace $0x8000004A;
	s14 =	sshrl.u32 s13, $0x1;
	s7 =	smul.u32 $0x1400, s7  }
0xa: {  	s30 =	ssub.s32 s13, s14;
	s13 =	simm.s32 $0x5100;
	s14 =	simm.s32 $0xE000  }
0xb: {  	s11 =	sadd.s32 s3, s4;
	s3 =	sadd.s32 $0x515C00, s4;
	s6 =	sadd.s32 s6, s4  }
0xc: {  	s12 =	sadd.s32 s9, s4;
	s8 =	sadd.s32 s8, s9;
	s4 =	sadd.s32 $0x501C00, s11  }
0xd: {  	v0 =	vimm.s32 $0x0;
	v1 =	vlaneseq.u32;
	v2 =	vimm.f32 $0.0e+00;
	s10 =	sadd.s32 s10, s31;
	s5 =	sadd.s32 $0x50BC00, s11;
	s6 =	sadd.s32 $0xC86C00, s6  }
0xe: {  	v3 =	vor.u32 $0x80000000, v1;
	v4 =	vshrl.u32 v1, $0x2;
	v5 =	vand.u32 $0x3, v1;
	s9 =	sadd.s32 $0xA15C00, s12;
	s11 =	smax.u32 s30, $0x1;
	s12 =	simm.s32 $0x1  }
.LBB2_1:
0xf: {  	[tilespmem:s2], [sflag:$0x1] =	stream.linear.gather [hbm4b:s4+s2], $0x2800, $0x38;
	[tilespmem:$0xE680] =	vst v63  }
0x10: {  	_ =	swait.ge [sflag:s12], $0x2800  }
0x11: {  	[sflag:s12] =	ssyncset.done $0x0  }
0x12: {  	s19 =	simm.s32 $0x2800;
	[sflag:s12] =	ssyncadd.s32 $0xFFFFD800  }
0x13: {  	[tilespmem:s19], [sflag:$0x1] =	stream.linear.gather [hbm4b:s5+s2], $0x2800, $0x38;
	[tilespmem:$0xE680] =	vst v63  }
0x14: {  	_ =	swait.ge [sflag:s12], $0x2800  }
0x15: {  	[sflag:s12] =	ssyncset.done $0x0  }
0x16: {  	[sflag:s12] =	ssyncadd.s32 $0xFFFFD800  }
0x17: {  	[tilespmem:s13], [sflag:$0x1] =	stream.linear.gather [hbm4b:s6+s2], $0x4E20, $0x38;
	[tilespmem:$0xE680] =	vst v63  }
0x18: {  	_ =	swait.ge [sflag:s12], $0x4E20  }
0x19: {  	[sflag:s12] =	ssyncset.done $0x0  }
0x1a: {  	[sflag:s12] =	ssyncadd.s32 $0xFFFFB1E0  }
0x1b: {  	v6 =	vld [tilespmem:s2+$0x0];
	_ =	sdelay $0x3  }
0x1c: {  	s22 =	simm.s32 $0x9F80  }
0x1d: {  	[tilespmem:s22+$0x0] =	vst v6  }
0x1e: {  	v7 =	vld [tilespmem:s19+$0x0];
	_ =	sdelay $0x2  }
0x1f: {  	(xrf0) =	vmax.scan.msk.f32 $0xffff, v6  }
0x20: {  	s21 =	simm.s32 $0xC900  }
0x21: {  	s20 =	simm.s32 $0xB500;
	[tilespmem:s21+$0x0] =	vst v7  }
0x22: {  	s23 =	sand.u32 $0x1F0, s2;
	[tilespmem:s20+$0x0] =	vst v0  }
0x23: {  	v6 =	vld [tilespmem:s23+$0xB380];
	_ =	sdelay $0x1  }
0x24: {  	s24 =	sand.u32 $0xF, s2;
	v7, _, _ =	vpop (xrf0)  }
0x25: {  	v8 =	vmov s24;
	v7 =	vbroadcast v7, $0xF  }
0x26: {  	vm0 =	veq.s32 v8, v1  }
0x27: {  	v6 =	vsel vm0, v7, v6  }
0x28: {  	s24 =	simm.s32 $0x10;
	[tilespmem:s23+$0xB380] =	vst v6  }
0x29: {  	v6 =	vld [tilespmem:s24+$0x0]  }
0x2a: {  	s25 =	simm.s32 $0x2;
	s23 =	simm.s32 $0x1  }
.LBB2_2:
0x2b: {  	p0 =	sne.s32 s25, $0x13F;
	_ =	sdelay $0x1  }
0x2c: {  	s22 =	sadd.s32 $0x10, s22  }
0x2d: {  	s19 =	sadd.s32 $0x10, s19;
	[tilespmem:s22+$0x0] =	vst v6  }
0x2e: {  	v7 =	vld [tilespmem:s19+$0x0];
	_ =	sdelay $0x2  }
0x2f: {  	(xrf0) =	vmax.scan.msk.f32 $0xffff, v6  }
0x30: {  	s21 =	sadd.s32 $0x10, s21  }
0x31: {  	s20 =	sadd.s32 $0x10, s20;
	[tilespmem:s21+$0x0] =	vst v7  }
0x32: {  	s26 =	sand.u32 $0x1F0, s23;
	[tilespmem:s20+$0x0] =	vst v0  }
0x33: {  	v6 =	vld [tilespmem:s26+$0xB380];
	_ =	sdelay $0x1  }
0x34: {  	s28 =	sand.u32 $0xF, s23;
	s23 =	smov.u32 s25;
	v7, _, _ =	vpop (xrf0)  }
0x35: {  	v8 =	vmov s28;
	v7 =	vbroadcast v7, $0xF  }
.Ltmp0:
0x36: {  	vm0 =	veq.s32 v8, v1;
	(pc) =	sbr.rel @p0 .LBB2_2-.Ltmp0, $4  }
0x37: {  	v6 =	vsel vm0, v7, v6  }
0x38: {  	s24 =	sadd.s32 $0x10, s24;
	[tilespmem:s26+$0xB380] =	vst v6  }
0x39: {  	v6 =	vld [tilespmem:s24+$0x0]  }
0x3a: {  	s25 =	sadd.s32 $0x1, s25  }
0x3b: {  	_ =	sdelay $0x1  }
0x3c: {  	s22 =	sadd.s32 $0x10, s22  }
0x3d: {  	s19 =	sadd.s32 $0x10, s19;
	[tilespmem:s22+$0x0] =	vst v6  }
0x3e: {  	v7 =	vld [tilespmem:s19+$0x0];
	_ =	sdelay $0x2  }
0x3f: {  	(xrf0) =	vmax.scan.msk.f32 $0xffff, v6  }
0x40: {  	s28 =	sadd.s32 $0x10, s21  }
0x41: {  	s29 =	sadd.s32 $0x10, s20;
	[tilespmem:s28+$0x0] =	vst v7  }
0x42: {  	s30 =	sand.u32 $0x1F0, s23;
	[tilespmem:s29+$0x0] =	vst v0  }
0x43: {  	v6 =	vld [tilespmem:s30+$0xB380]  }
0x44: {  	p0 =	por $0x1, $0x1  }
.Ltmp1:
0x45: {  	s31 =	sand.u32 $0xF, s23;
	v7, _, _ =	vpop (xrf0);
	(pc) =	sbr.rel @!p0 .LBB2_5-.Ltmp1, $4  }
0x46: {  	v8 =	vmov s31;
	v7 =	vbroadcast v7, $0xF  }
0x47: {  	vm0 =	veq.s32 v8, v1  }
0x48: {  	v6 =	vsel vm0, v7, v6  }
0x49: {  	s20 =	simm.s32 $0x40;
	s21 =	simm.s32 $0x0;
	s19 =	simm.s32 $0x0;
	[tilespmem:s30+$0xB380] =	vst v6  }
.LBB2_4:
0x4a: {  	p0 =	sne.s32 s20, $0x480;
	[tilespmem:s21+$0xE000] =	vst v0;
	s22 =	smov.u32 s20;
	s20 =	sadd.s32 $0x40, s20  }
.Ltmp2:
0x4b: {  	[tilespmem:s21+$0xDD00] =	vst v2;
	(pc) =	sbr.rel @p0 .LBB2_4-.Ltmp2, $2  }
0x4c: {  	[tilespmem:s21+$0xDE80] =	vst v0;
	_ =	sdelay $0x2  }
0x4d: {  	s21 =	sshra.s32 s22, $0x2  }
.LBB2_5:
.Ltmp3:
0x4e: {  	(pc) =	sbr.rel .LBB2_6-.Ltmp3, $4  }
0x4f: {  	_ = 	snop  }
0x50: {  	[tilespmem:s21+$0xE000] =	vst v0  }
0x51: {  	[tilespmem:s21+$0xDD00] =	vst v2  }
0x52: {  	[tilespmem:s21+$0xDE80] =	vst v0  }
.LBB2_9:
0x53: {  	s24 =	sand.u32 $0xFFFFFFF0, s21  }
0x54: {  	v10 =	vld [tilespmem:s24+$0x1400]  }
0x55: {  	v11 =	vld [tilespmem:s24+$0x3C00];
	_ =	sdelay $0x4  }
0x56: {  	v10 =	vnsel vm0, $0xC0000000, v10;
	v11 =	vxor.u32 $0x80000000, v11  }
0x57: {  	(xrf0) =	vmax.scan.msk.f32 $0xffff, v10;
	v10 =	vnsel vm0, $0x80000000, v11  }
0x58: {  	(xrf0) =	vmax.scan.msk.u32 $0xffff, v10;
	_ =	sdelay $0x4  }
0x59: {  	v10, _, _ =	vpop (xrf0)  }
0x5a: {  	v11, _, _ =	vpop (xrf0)  }
0x5b: {  	(v2sf) =	vpush v11, $0xF;
	_ =	sdelay $0xe  }
0x5c: {  	s31 =	spop (v2sf)  }
0x5d: {  	v11 =	vbroadcast v10, $0xF;
	v10 =	vmov s25;
	s24 =	sxor.u32 $0x80000000, s31  }
.LBB2_15:
0x5e: {  	s25 =	sand.u32 $0xF, s22  }
0x5f: {  	s26 =	sshra.s32 s22, $0x1F;
	p0 =	slt.s32 s22, $0x1;
	p1 =	sne.s32 s25, $0x0  }
0x60: {  	v9 =	vsel vm0, v11, v9;
	s26 =	sshrl.u32 s26, $0x1C;
	p0 =	por !p0, !p1  }
0x61: {  	s25 =	sadd.s32 s26, s22;
	s26 =	simm.s32 $0x1;
	(xrf0) =	vmax.scan.msk.f32 $0xffff, v9;
	p0 =	por !p0, !p0  }
0x62: {  	s25 =	sshrl.u32 s25, $0x4;
	s26 =	simm.s32 @!p0 $0x0  }
0x63: {  	s25 =	ssub.s32 s25, s26  }
0x64: {  	[tilespmem:s21+$0x9F80] =	vst v9;
	s25 =	sshll.u32 s25, $0x4  }
0x65: {  	v9 =	vld [tilespmem:s25+$0xB380];
	_ =	sdelay $0x1  }
0x66: {  	s28 =	ssub.s32 s22, s25;
	v61, _, _ =	vpop (xrf0)  }
0x67: {  	v12 =	vmov s28;
	v11 =	vbroadcast v61, $0xF  }
0x68: {  	vm1 =	veq.s32 v12, v1  }
0x69: {  	s29 =	sadd.s32 $0x80000001, s23;
	v9 =	vsel vm1, v11, v9  }
0x6a: {  	v7 =	vsel vm0, s29, v7;
	[tilespmem:s25+$0xB380] =	vst v9  }
0x6b: {  	[tilespmem:s21+$0xB500] =	vst v7;
	v7 =	vsel vm0, s24, v8  }
0x6c: {  	s30 =	sand.u32 $0x1F0, s19;
	[tilespmem:s21+$0xC900] =	vst v7  }
0x6d: {  	v7 =	vld [tilespmem:s30+$0xDD00]  }
0x6e: {  	v62 =	vld [tilespmem:s30+$0xDE80]  }
0x6f: {  	s31 =	sand.u32 $0xF, s19;
	s19 =	sadd.s32 $0x1, s19;
	v9 =	vld [tilespmem:s30+$0xE000]  }
0x70: {  	v63 =	vmov s31;
	p0 =	sne.s32 s19, $0x12C  }
.Ltmp4:
0x71: {  	vm15 =	veq.s32 v63, v1;
	(pc) =	sbr.rel @!p0 .LBB2_16-.Ltmp4, $4  }
0x72: {  	v6 =	vsel vm15, v6, v7  }
0x73: {  	[tilespmem:s30+$0xDD00] =	vst v6;
	v6 =	vsel vm15, v10, v62  }
0x74: {  	[tilespmem:s30+$0xDE80] =	vst v6;
	v6 =	vsel vm15, s20, v9  }
0x75: {  	[tilespmem:s30+$0xE000] =	vst v6  }
.LBB2_6:
0x76: {  	v6 =	vld [tilespmem:$0xB380]  }
0x77: {  	v7 =	vld [tilespmem:$0xB390]  }
0x78: {  	v8 =	vld [tilespmem:$0xB3A0]  }
0x79: {  	v9 =	vld [tilespmem:$0xB3B0]  }
0x7a: {  	v10 =	vld [tilespmem:$0xB3C0]  }
0x7b: {  	(xrf0) =	vmax.scan.msk.f32 $0xffff, v6;
	v6 =	vld [tilespmem:$0xB3D0]  }
0x7c: {  	(xrf0) =	vmax.scan.msk.f32 $0xffff, v7;
	v7 =	vld [tilespmem:$0xB3E0]  }
0x7d: {  	(xrf0) =	vmax.scan.msk.f32 $0xffff, v8;
	v8 =	vld [tilespmem:$0xB3F0]  }
0x7e: {  	v47 =	vld [tilespmem:$0xB400];
	(xrf0) =	vmax.scan.msk.f32 $0xffff, v9  }
0x7f: {  	v48 =	vld [tilespmem:$0xB410];
	(xrf0) =	vmax.scan.msk.f32 $0xffff, v10  }
0x80: {  	(xrf0) =	vmax.scan.msk.f32 $0xffff, v6;
	v6 =	vld [tilespmem:$0xB420]  }
0x81: {  	v11, _, _ =	vpop (xrf0);
	(xrf0) =	vmax.scan.msk.f32 $0xffff, v7;
	v7 =	vld [tilespmem:$0xB430]  }
0x82: {  	(v2sf) =	vpush v11, $0xF;
	v49, _, _ =	vpop (xrf0);
	(xrf0) =	vmax.scan.msk.f32 $0xffff, v8;
	v8 =	vld [tilespmem:$0xB440]  }
0x83: {  	v51 =	vld [tilespmem:$0xB450];
	(v2sf) =	vpush v49, $0xF;
	v50, _, _ =	vpop (xrf0);
	(xrf0) =	vmax.scan.msk.f32 $0xffff, v47  }
0x84: {  	v53 =	vld [tilespmem:$0xB460];
	(v2sf) =	vpush v50, $0xF;
	v52, _, _ =	vpop (xrf0);
	(xrf0) =	vmax.scan.msk.f32 $0xffff, v48  }
0x85: {  	(v2sf) =	vpush v52, $0xF;
	v54, _, _ =	vpop (xrf0);
	(xrf0) =	vmax.scan.msk.f32 $0xffff, v6;
	v6 =	vld [tilespmem:$0xB470]  }
0x86: {  	(v2sf) =	vpush v54, $0xF;
	v55, _, _ =	vpop (xrf0);
	(xrf0) =	vmax.scan.msk.f32 $0xffff, v7;
	v7 =	vld [tilespmem:$0xB480]  }
0x87: {  	(v2sf) =	vpush v55, $0xF;
	v56, _, _ =	vpop (xrf0);
	(xrf0) =	vmax.scan.msk.f32 $0xffff, v8;
	v8 =	vld [tilespmem:$0xB490]  }
0x88: {  	v58 =	vld [tilespmem:$0xB4A0];
	(v2sf) =	vpush v56, $0xF;
	v57, _, _ =	vpop (xrf0);
	(xrf0) =	vmax.scan.msk.f32 $0xffff, v51  }
0x89: {  	v60 =	vld [tilespmem:$0xB4B0];
	(v2sf) =	vpush v57, $0xF;
	v59, _, _ =	vpop (xrf0);
	(xrf0) =	vmax.scan.msk.f32 $0xffff, v53  }
0x8a: {  	(v2sf) =	vpush v59, $0xF;
	v61, _, _ =	vpop (xrf0);
	(xrf0) =	vmax.scan.msk.f32 $0xffff, v6  }
0x8b: {  	(v2sf) =	vpush v61, $0xF;
	v6, _, _ =	vpop (xrf0);
	(xrf0) =	vmax.scan.msk.f32 $0xffff, v7  }
0x8c: {  	(v2sf) =	vpush v6, $0xF;
	v6, _, _ =	vpop (xrf0);
	(xrf0) =	vmax.scan.msk.f32 $0xffff, v8  }
0x8d: {  	(v2sf) =	vpush v6, $0xF;
	v6, _, _ =	vpop (xrf0);
	(xrf0) =	vmax.scan.msk.f32 $0xffff, v58  }
0x8e: {  	(v2sf) =	vpush v6, $0xF;
	v6, _, _ =	vpop (xrf0);
	(xrf0) =	vmax.scan.msk.f32 $0xffff, v60  }
0x8f: {  	v7, _, _ =	vpop (xrf0);
	(v2sf) =	vpush v6, $0xF  }
0x90: {  	v6, _, _ =	vpop (xrf0);
	(v2sf) =	vpush v7, $0xF  }
0x91: {  	v7, _, _ =	vpop (xrf0);
	s20 =	spop (v2sf);
	(v2sf) =	vpush v6, $0xF  }
0x92: {  	v6, _, _ =	vpop (xrf0);
	s20 =	smax.f32 s20, $-3.000000000e+00;
	s21 =	spop (v2sf);
	(v2sf) =	vpush v7, $0xF  }
0x93: {  	s20 =	smax.f32 s20, s21;
	s31 =	spop (v2sf);
	(v2sf) =	vpush v6, $0xF;
	v6, _, _ =	vpop (xrf0)  }
0x94: {  	s20 =	smax.f32 s20, s31;
	s22 =	spop (v2sf);
	(v2sf) =	vpush v6, $0xF;
	v6, _, _ =	vpop (xrf0)  }
0x95: {  	s20 =	smax.f32 s20, s22;
	s23 =	spop (v2sf);
	(v2sf) =	vpush v6, $0xF  }
0x96: {  	s22 =	spop (v2sf);
	s20 =	smax.f32 s20, s23  }
0x97: {  	s24 =	spop (v2sf);
	s20 =	smax.f32 s20, s22  }
0x98: {  	s25 =	spop (v2sf);
	s20 =	smax.f32 s20, s24  }
0x99: {  	s26 =	spop (v2sf);
	s20 =	smax.f32 s20, s25  }
0x9a: {  	s28 =	spop (v2sf);
	s20 =	smax.f32 s20, s26  }
0x9b: {  	s29 =	spop (v2sf);
	s20 =	smax.f32 s20, s28  }
0x9c: {  	s30 =	spop (v2sf);
	s20 =	smax.f32 s20, s29  }
0x9d: {  	s31 =	spop (v2sf);
	s20 =	smax.f32 s20, s30  }
0x9e: {  	s23 =	spop (v2sf);
	s20 =	smax.f32 s20, s31  }
0x9f: {  	s24 =	spop (v2sf);
	s20 =	smax.f32 s20, s23  }
0xa0: {  	s25 =	spop (v2sf);
	s20 =	smax.f32 s20, s24  }
0xa1: {  	s28 =	simm.s32 $0xB380;
	s26 =	spop (v2sf);
	s20 =	smax.f32 s20, s25  }
0xa2: {  	v7 =	vld [tilespmem:s28+$0x0];
	s20 =	smax.f32 s20, s26;
	s29 =	spop (v2sf)  }
0xa3: {  	s20 =	smax.f32 s20, s29;
	s30 =	spop (v2sf)  }
0xa4: {  	s20 =	smax.f32 s20, s30;
	s31 =	spop (v2sf)  }
0xa5: {  	s20 =	smax.f32 s20, s31  }
0xa6: {  	s22 =	simm.s32 $0x0;
	v6 =	vmov s20  }
0xa7: {  	vm0 =	veq.f32 v7, v6;
	v7 =	vor.u32 s22, v3  }
0xa8: {  	v7 =	vnsel vm0, $0xC0000000, v7  }
0xa9: {  	(xrf0) =	vmin.scan.msk.u32 $0xffff, v7;
	_ =	sdelay $0x4  }
0xaa: {  	s23 =	simm.s32 $0xB390  }
0xab: {  	v8 =	vld [tilespmem:s23+$0x0];
	s24 =	simm.s32 $0xB3A0;
	v7, _, _ =	vpop (xrf0)  }
0xac: {  	(v2sf) =	vpush v7, $0xF;
	v7 =	vld [tilespmem:s24+$0x0];
	_ =	sdelay $0x2  }
0xad: {  	s25 =	simm.s32 $0x10  }
0xae: {  	s26 =	simm.s32 $0x20;
	vm0 =	veq.f32 v8, v6;
	v8 =	vor.u32 s25, v3  }
0xaf: {  	v8 =	vnsel vm0, $0xC0000000, v8;
	vm0 =	veq.f32 v7, v6;
	v7 =	vor.u32 s26, v3  }
0xb0: {  	(xrf0) =	vmin.scan.msk.u32 $0xffff, v8;
	v7 =	vnsel vm0, $0xC0000000, v7  }
0xb1: {  	(xrf0) =	vmin.scan.msk.u32 $0xffff, v7;
	_ =	sdelay $0x3  }
0xb2: {  	s28 =	simm.s32 $0xB3B0  }
0xb3: {  	v8 =	vld [tilespmem:s28+$0x0];
	v62, _, _ =	vpop (xrf0)  }
0xb4: {  	(v2sf) =	vpush v62, $0xF;
	v63, _, _ =	vpop (xrf0)  }
0xb5: {  	(v2sf) =	vpush v63, $0xF;
	_ =	sdelay $0x1  }
0xb6: {  	s29 =	simm.s32 $0xB3C0;
	s30 =	simm.s32 $0x30  }
0xb7: {  	vm0 =	veq.f32 v8, v6;
	v8 =	vor.u32 s30, v3;
	v7 =	vld [tilespmem:s29+$0x0]  }
0xb8: {  	v8 =	vnsel vm0, $0xC0000000, v8  }
0xb9: {  	(xrf0) =	vmin.scan.msk.u32 $0xffff, v8;
	_ =	sdelay $0x1  }
0xba: {  	s21 =	simm.s32 $0x50;
	s31 =	simm.s32 $0x40  }
0xbb: {  	s20 =	simm.s32 $0x40000000;
	s22 =	simm.s32 $0xB3D0;
	vm0 =	veq.f32 v7, v6;
	v7 =	vor.u32 s31, v3;
	s23 =	spop (v2sf)  }
.LBB2_7:
0xbc: {  	s24 =	smov.u32 s20;
	p0 =	sne.s32 s21, $0x130  }
0xbd: {  	v9 =	vnsel vm0, $0xC0000000, v7;
	s20 =	sxor.u32 $0x80000000, s23;
	s23 =	smov.u32 s21;
	s21 =	sadd.s32 $0x10, s21;
	v8 =	vld [tilespmem:s22+$0x0]  }
.Ltmp5:
0xbe: {  	p1 =	slt.s32 s24, s20;
	(xrf0) =	vmin.scan.msk.u32 $0xffff, v9;
	v7, _, _ =	vpop (xrf0);
	(pc) =	sbr.rel @p0 .LBB2_7-.Ltmp5, $2  }
0xbf: {  	s20 =	smov.u32 @p1 s24;
	(v2sf) =	vpush v7, $0xF;
	_ =	sdelay $0x2  }
0xc0: {  	s22 =	sadd.s32 $0x10, s22;
	v7 =	vor.u32 s23, v3;
	vm0 =	veq.f32 v8, v6;
	s23 =	spop (v2sf)  }
0xc1: {  	v7 =	vnsel vm0, $0xC0000000, v7  }
0xc2: {  	(xrf0) =	vmin.scan.msk.u32 $0xffff, v7;
	_ =	sdelay $0x3  }
0xc3: {  	v7, _, _ =	vpop (xrf0)  }
0xc4: {  	(v2sf) =	vpush v7, $0xF  }
0xc5: {  	v7, _, _ =	vpop (xrf0)  }
0xc6: {  	(v2sf) =	vpush v7, $0xF;
	_ =	sdelay $0x7  }
0xc7: {  	s21 =	sxor.u32 $0x80000000, s23  }
0xc8: {  	s22 =	spop (v2sf);
	p0 =	slt.s32 s20, s21  }
0xc9: {  	s21 =	smov.u32 @p0 s20;
	s20 =	sxor.u32 $0x80000000, s22  }
0xca: {  	p0 =	slt.s32 s21, s20;
	s28 =	spop (v2sf)  }
0xcb: {  	s20 =	smov.u32 @p0 s21;
	s21 =	sxor.u32 $0x80000000, s28  }
0xcc: {  	p0 =	slt.s32 s20, s21;
	s29 =	spop (v2sf)  }
0xcd: {  	s21 =	smov.u32 @p0 s20;
	s20 =	sxor.u32 $0x80000000, s29  }
0xce: {  	p0 =	slt.s32 s21, s20;
	s30 =	spop (v2sf)  }
0xcf: {  	s20 =	smov.u32 @p0 s21;
	s22 =	sxor.u32 $0x80000000, s30  }
0xd0: {  	p0 =	slt.s32 s20, s22  }
0xd1: {  	s22 =	smov.u32 @p0 s20  }
0xd2: {  	s21 =	sshll.u32 s22, $0x4  }
0xd3: {  	v9 =	vld [tilespmem:s21+$0x9F80];
	_ =	sdelay $0x4  }
0xd4: {  	v7 =	vxor.u32 s21, v3;
	vm0 =	veq.f32 v9, v6  }
0xd5: {  	v7 =	vnsel vm0, $0xC0000000, v7  }
0xd6: {  	(xrf0) =	vmin.scan.msk.u32 $0xffff, v7;
	_ =	sdelay $0x5  }
0xd7: {  	v7, _, _ =	vpop (xrf0)  }
0xd8: {  	(v2sf) =	vpush v7, $0xF;
	_ =	sdelay $0xd  }
0xd9: {  	v7 =	vld [tilespmem:s21+$0xB500]  }
0xda: {  	s24 =	spop (v2sf)  }
0xdb: {  	s20 =	sxor.u32 $0x80000000, s24  }
0xdc: {  	s31 =	ssub.s32 s20, s21  }
0xdd: {  	v8 =	vld [tilespmem:s21+$0xC900];
	v10 =	vmov s31  }
0xde: {  	vm0 =	veq.s32 v10, v1;
	v10 =	vxor.u32 $0x80000000, v7  }
0xdf: {  	v10 =	vnsel vm0, $0x80000000, v10  }
0xe0: {  	(xrf0) =	vmax.scan.msk.u32 $0xffff, v10;
	_ =	sdelay $0x1  }
0xe1: {  	v11 =	vxor.u32 $0x80000000, v8  }
0xe2: {  	v10 =	vnsel vm0, $0x80000000, v11;
	_ =	sdelay $0x1  }
0xe3: {  	(xrf0) =	vmax.scan.msk.u32 $0xffff, v10  }
0xe4: {  	v10, _, _ =	vpop (xrf0)  }
0xe5: {  	(v2sf) =	vpush v10, $0xF;
	_ =	sdelay $0x3  }
0xe6: {  	v10, _, _ =	vpop (xrf0)  }
0xe7: {  	(v2sf) =	vpush v10, $0xF;
	_ =	sdelay $0x9  }
0xe8: {  	s23 =	spop (v2sf)  }
0xe9: {  	p0 =	sne.s32 s23, $0x80000000  }
.Ltmp6:
0xea: {  	_ = 	snop;
	(pc) =	sbr.rel @!p0 .LBB2_9-.Ltmp6, $3  }
0xeb: {  	_ =	sdelay $0x1  }
0xec: {  	s25 =	spop (v2sf)  }
0xed: {  	s25 =	sxor.u32 $0x80000000, s25  }
0xee: {  	s24 =	sadd.s32 s7, s24  }
0xef: {  	s24 =	sshll.u32 s24, $0x5  }
0xf0: {  	s24 =	sand.u32 $0x1FFFFFE0, s24  }
0xf1: {  	s26 =	simm.s32 $0x0;
	s28 =	simm.s32 $0x5000;
	s24 =	sadd.s32 s3, s24  }
0xf2: {  	[tilespmem:s28], [sflag:$0x1] =	stream.linear.gather [hbm4b:s24+s26], $0x100, $0x38;
	[tilespmem:$0xE680] =	vst v63  }
0xf3: {  	_ =	swait.ge [sflag:s12], $0x100  }
0xf4: {  	[sflag:s12] =	ssyncset.done $0x0  }
0xf5: {  	[sflag:s12] =	ssyncadd.s32 $0xFFFFFF00  }
0xf6: {  	v11 =	vld [tilespmem:s28+$0x0];
	_ =	sdelay $0x1  }
0xf7: {  	s28 =	simm.s32 $0x5010  }
0xf8: {  	s29 =	simm.s32 $0x5020;
	v12 =	vld [tilespmem:s28+$0x0]  }
0xf9: {  	v10 =	vmov s25;
	v13 =	vor.u32 s26, v1;
	v56 =	vld [tilespmem:s29+$0x0]  }
0xfa: {  	s31 =	simm.s32 $0x20;
	vm2 =	vgt.s32 v13, v10;
	vm1 =	veq.f32 v11, v6  }
0xfb: {  	s30 =	simm.s32 $0x10;
	v57 =	vor.u32 s31, v1;
	vm3 =	vlt.f32 v11, v6;
	vm1 =	vmand vm2, vm1  }
0xfc: {  	v14 =	vor.u32 s30, v1;
	vm4 =	vgt.s32 v57, v10;
	vm1 =	vmor vm3, vm1  }
0xfd: {  	vm2 =	vgt.s32 v14, v10;
	v11 =	vnsel vm1, $0xC0000000, v11;
	vm1 =	veq.f32 v12, v6  }
0xfe: {  	vm3 =	vlt.f32 v12, v6;
	vm1 =	vmand vm2, vm1;
	vm2 =	veq.f32 v56, v6;
	(xrf0) =	vmax.scan.msk.f32 $0xffff, v11  }
0xff: {  	vm1 =	vmor vm3, vm1;
	vm2 =	vmand vm4, vm2;
	vm3 =	vlt.f32 v56, v6  }
0x100: {  	v11 =	vnsel vm1, $0xC0000000, v12;
	vm1 =	vmor vm3, vm2  }
0x101: {  	(xrf0) =	vmax.scan.msk.f32 $0xffff, v11;
	v11 =	vnsel vm1, $0xC0000000, v56  }
0x102: {  	(xrf0) =	vmax.scan.msk.f32 $0xffff, v11;
	_ =	sdelay $0x1  }
0x103: {  	v60, _, _ =	vpop (xrf0)  }
0x104: {  	(v2sf) =	vpush v60, $0xF  }
0x105: {  	s28 =	simm.s32 $0x5030  }
0x106: {  	v58 =	vld [tilespmem:s28+$0x0];
	v61, _, _ =	vpop (xrf0)  }
0x107: {  	(v2sf) =	vpush v61, $0xF;
	v62, _, _ =	vpop (xrf0)  }
0x108: {  	(v2sf) =	vpush v62, $0xF  }
0x109: {  	s29 =	simm.s32 $0x30  }
0x10a: {  	v59 =	vor.u32 s29, v1  }
0x10b: {  	s30 =	simm.s32 $0x5040;
	vm2 =	vgt.s32 v59, v10;
	vm1 =	veq.f32 v58, v6  }
0x10c: {  	v11 =	vld [tilespmem:s30+$0x0];
	vm1 =	vmand vm2, vm1;
	vm2 =	vlt.f32 v58, v6  }
0x10d: {  	vm1 =	vmor vm2, vm1  }
0x10e: {  	v12 =	vnsel vm1, $0xC0000000, v58  }
0x10f: {  	s31 =	simm.s32 $0x40;
	(xrf0) =	vmax.scan.msk.f32 $0xffff, v12  }
0x110: {  	v63 =	vor.u32 s31, v1  }
0x111: {  	s25 =	simm.s32 $0x50;
	s24 =	simm.f32 $-2.000000000e+00;
	s26 =	simm.s32 $0x5050;
	vm2 =	vgt.s32 v63, v10;
	vm1 =	veq.f32 v11, v6  }
.LBB2_11:
0x112: {  	v12 =	vld [tilespmem:s26+$0x0];
	p0 =	seq.s32 s25, $0xF0;
	vm3 =	vlt.f32 v11, v6;
	vm1 =	vmand vm2, vm1;
	s28 =	smov.u32 s25;
	s25 =	sadd.s32 $0x10, s25  }
.Ltmp7:
0x113: {  	vm1 =	vmor vm3, vm1;
	s29 =	spop (v2sf);
	(pc) =	sbr.rel @!p0 .LBB2_11-.Ltmp7, $4  }
0x114: {  	v13 =	vnsel vm1, $0xC0000000, v11;
	s24 =	smax.f32 s24, s29  }
0x115: {  	(xrf0) =	vmax.scan.msk.f32 $0xffff, v13;
	v11, _, _ =	vpop (xrf0)  }
0x116: {  	v13 =	vor.u32 s28, v1;
	(v2sf) =	vpush v11, $0xF  }
0x117: {  	s26 =	sadd.s32 $0x10, s26;
	vm2 =	vgt.s32 v13, v10;
	vm1 =	veq.f32 v12, v6;
	v11 =	vmov v12  }
0x118: {  	vm3 =	vlt.f32 v11, v6;
	vm1 =	vmand vm2, vm1  }
0x119: {  	vm1 =	vmor vm3, vm1  }
0x11a: {  	v11 =	vnsel vm1, $0xC0000000, v11  }
0x11b: {  	(xrf0) =	vmax.scan.msk.f32 $0xffff, v11;
	_ =	sdelay $0x4  }
0x11c: {  	v11, _, _ =	vpop (xrf0)  }
0x11d: {  	(v2sf) =	vpush v11, $0xF;
	v11, _, _ =	vpop (xrf0)  }
0x11e: {  	(v2sf) =	vpush v11, $0xF;
	_ =	sdelay $0xa  }
0x11f: {  	s25 =	spop (v2sf)  }
0x120: {  	s24 =	smax.f32 s24, s25;
	s29 =	spop (v2sf)  }
0x121: {  	s24 =	smax.f32 s24, s29;
	s30 =	spop (v2sf)  }
0x122: {  	s24 =	smax.f32 s24, s30;
	s31 =	spop (v2sf)  }
0x123: {  	s24 =	smax.f32 s24, s31;
	s26 =	spop (v2sf)  }
0x124: {  	s24 =	smax.f32 s24, s26;
	s26 =	simm.s32 $0x5000  }
0x125: {  	v12 =	vld [tilespmem:s26+$0x0];
	_ =	sdelay $0x1  }
0x126: {  	s25 =	simm.s32 $0x0;
	s29 =	simm.s32 $0x5010  }
0x127: {  	v14 =	vor.u32 s25, v1;
	v13 =	vld [tilespmem:s29+$0x0];
	s31 =	simm.s32 $0x20  }
0x128: {  	vm2 =	vgt.s32 v14, v10;
	s30 =	simm.s32 $0x5020;
	v15 =	vor.u32 s31, v1  }
0x129: {  	s28 =	simm.s32 $0x10;
	v14 =	vld [tilespmem:s30+$0x0];
	v11 =	vmov s24;
	vm1 =	veq.f32 v12, v6;
	vm3 =	vlt.f32 v12, v6  }
0x12a: {  	vm1 =	vmand vm2, vm1;
	vm2 =	veq.f32 v12, v11;
	v12 =	vor.u32 s28, v1  }
0x12b: {  	vm4 =	vgt.s32 v15, v10;
	vm1 =	vmor vm3, vm1;
	vm3 =	vgt.s32 v12, v10  }
0x12c: {  	v12 =	vor.u32 s25, v3;
	vm1 =	vmand vm2, vm1;
	vm2 =	veq.f32 v13, v6  }
0x12d: {  	vm2 =	vmand vm3, vm2;
	vm3 =	vlt.f32 v13, v6;
	v12 =	vnsel vm1, $0xC0000000, v12  }
0x12e: {  	vm1 =	vmor vm3, vm2;
	vm2 =	veq.f32 v13, v11;
	vm3 =	veq.f32 v14, v6  }
0x12f: {  	vm1 =	vmand vm2, vm1;
	vm2 =	vmand vm4, vm3;
	vm3 =	vlt.f32 v14, v6  }
0x130: {  	v13 =	vor.u32 s28, v3;
	(xrf0) =	vmin.scan.msk.u32 $0xffff, v12;
	vm2 =	vmor vm3, vm2;
	vm3 =	veq.f32 v14, v11  }
0x131: {  	v12 =	vnsel vm1, $0xC0000000, v13;
	v13 =	vor.u32 s31, v3;
	vm1 =	vmand vm3, vm2  }
0x132: {  	s29 =	simm.s32 $0x5030;
	(xrf0) =	vmin.scan.msk.u32 $0xffff, v12;
	v12 =	vnsel vm1, $0xC0000000, v13  }
0x133: {  	v15 =	vld [tilespmem:s29+$0x0];
	(xrf0) =	vmin.scan.msk.u32 $0xffff, v12;
	_ =	sdelay $0x2  }
0x134: {  	s30 =	simm.s32 $0x30;
	v13, _, _ =	vpop (xrf0)  }
0x135: {  	v12 =	vor.u32 s30, v1;
	(v2sf) =	vpush v13, $0xF  }
0x136: {  	vm3 =	vlt.f32 v15, v6;
	vm1 =	veq.f32 v15, v6;
	vm2 =	vgt.s32 v12, v10;
	v13, _, _ =	vpop (xrf0)  }
0x137: {  	vm1 =	vmand vm2, vm1;
	vm2 =	veq.f32 v15, v11;
	(v2sf) =	vpush v13, $0xF;
	v15, _, _ =	vpop (xrf0)  }
0x138: {  	(v2sf) =	vpush v15, $0xF;
	_ =	sdelay $0x1  }
0x139: {  	s31 =	simm.s32 $0x5040  }
0x13a: {  	v12 =	vld [tilespmem:s31+$0x0];
	_ =	sdelay $0x1  }
0x13b: {  	vm1 =	vmor vm3, vm1  }
0x13c: {  	s25 =	simm.s32 $0x40;
	v14 =	vor.u32 s30, v3;
	vm1 =	vmand vm2, vm1  }
0x13d: {  	v13 =	vnsel vm1, $0xC0000000, v14;
	v14 =	vor.u32 s25, v1  }
0x13e: {  	s24 =	simm.s32 $0x40000000;
	s26 =	simm.s32 $0x50;
	s28 =	simm.s32 $0x5050;
	(xrf0) =	vmin.scan.msk.u32 $0xffff, v13;
	vm1 =	veq.f32 v12, v6;
	vm2 =	vgt.s32 v14, v10  }
.LBB2_13:
0x13f: {  	s29 =	smov.u32 s24  }
0x140: {  	p0 =	sne.s32 s26, $0xF0;
	vm3 =	vlt.f32 v12, v6;
	vm1 =	vmand vm2, vm1;
	s24 =	smov.u32 s26;
	s26 =	sadd.s32 $0x10, s26;
	v13 =	vld [tilespmem:s28+$0x0]  }
.Ltmp8:
0x141: {  	vm2 =	veq.f32 v12, v11;
	vm1 =	vmor vm3, vm1;
	(pc) =	sbr.rel @p0 .LBB2_13-.Ltmp8, $4  }
0x142: {  	v16 =	vor.u32 s25, v3;
	s25 =	smov.u32 s24;
	vm1 =	vmand vm2, vm1;
	s30 =	spop (v2sf)  }
0x143: {  	v15 =	vnsel vm1, $0xC0000000, v16;
	s24 =	sxor.u32 $0x80000000, s30  }
0x144: {  	v14 =	vor.u32 s25, v1;
	(xrf0) =	vmin.scan.msk.u32 $0xffff, v15;
	v12, _, _ =	vpop (xrf0);
	p1 =	slt.s32 s29, s24  }
0x145: {  	s28 =	sadd.s32 $0x10, s28;
	vm2 =	vgt.s32 v14, v10;
	vm1 =	veq.f32 v13, v6;
	(v2sf) =	vpush v12, $0xF;
	s24 =	smov.u32 @p1 s29;
	v12 =	vmovc v13  }
0x146: {  	vm3 =	vlt.f32 v12, v6;
	vm1 =	vmand vm2, vm1  }
0x147: {  	vm2 =	veq.f32 v12, v11;
	vm1 =	vmor vm3, vm1  }
0x148: {  	v61 =	vor.u32 s25, v3;
	vm1 =	vmand vm2, vm1  }
0x149: {  	v12 =	vnsel vm1, $0xC0000000, v61  }
0x14a: {  	(xrf0) =	vmin.scan.msk.u32 $0xffff, v12;
	_ =	sdelay $0x3  }
0x14b: {  	v62, _, _ =	vpop (xrf0)  }
0x14c: {  	(v2sf) =	vpush v62, $0xF  }
0x14d: {  	v63, _, _ =	vpop (xrf0)  }
0x14e: {  	(v2sf) =	vpush v63, $0xF;
	_ =	sdelay $0x6  }
0x14f: {  	s28 =	spop (v2sf)  }
0x150: {  	s25 =	sxor.u32 $0x80000000, s28  }
0x151: {  	s26 =	spop (v2sf);
	p0 =	slt.s32 s24, s25  }
0x152: {  	s25 =	smov.u32 @p0 s24;
	s24 =	sxor.u32 $0x80000000, s26  }
0x153: {  	p0 =	slt.s32 s25, s24;
	s29 =	spop (v2sf)  }
0x154: {  	s24 =	smov.u32 @p0 s25;
	s25 =	sxor.u32 $0x80000000, s29  }
0x155: {  	p0 =	slt.s32 s24, s25;
	s30 =	spop (v2sf)  }
.Ltmp9:
0x156: {  	s25 =	smov.u32 @p0 s24;
	s26 =	sxor.u32 $0x80000000, s30;
	(pc) =	sbr.rel .LBB2_15-.Ltmp9, $4  }
0x157: {  	p0 =	slt.s32 s25, s26;
	s31 =	spop (v2sf)  }
0x158: {  	s26 =	smov.u32 @p0 s25;
	s24 =	sxor.u32 $0x80000000, s31  }
0x159: {  	p0 =	slt.s32 s26, s24  }
0x15a: {  	s24 =	smov.u32 @p0 s26  }
.LBB2_16:
0x15b: {  	s19 =	simm.s32 $0x0  }
0x15c: {  	v6 =	vor.u32 s19, v4;
	_ =	sdelay $0x4  }
0x15d: {  	v6 =	vld.idx.msk [tilespmem:v6+s14+$0x0], $0xffff;
	_ =	sdelay $0x4  }
0x15e: {  	v6 =	vshll.u32 v6, $0x2  }
0x15f: {  	v6 =	vor.u32 v5, v6;
	_ =	sdelay $0x4  }
0x160: {  	s31 =	simm.s32 $0x4;
	v6 =	vld.idx.msk [tilespmem:v6+s13+$0x0], $0xffff  }
0x161: {  	v7 =	vor.u32 s31, v4;
	_ =	sdelay $0x2  }
0x162: {  	s19 =	simm.s32 $0xE180  }
0x163: {  	[tilespmem:s19+$0x0] =	vst v6  }
0x164: {  	v6 =	vld.idx.msk [tilespmem:v7+s14+$0x0], $0xffff;
	_ =	sdelay $0x4  }
0x165: {  	v6 =	vshll.u32 v6, $0x2  }
0x166: {  	v6 =	vor.u32 v5, v6;
	_ =	sdelay $0x4  }
0x167: {  	s20 =	simm.s32 $0x8;
	v6 =	vld.idx.msk [tilespmem:v6+s13+$0x0], $0xffff  }
0x168: {  	v7 =	vor.u32 s20, v4;
	s20 =	simm.s32 $0xC  }
.LBB2_17:
0x169: {  	p0 =	sne.s32 s20, $0x12C;
	_ =	sdelay $0x1  }
0x16a: {  	s19 =	sadd.s32 $0x10, s19  }
0x16b: {  	[tilespmem:s19+$0x0] =	vst v6  }
0x16c: {  	v6 =	vld.idx.msk [tilespmem:v7+s14+$0x0], $0xffff;
	_ =	sdelay $0x5  }
0x16d: {  	v6 =	vshll.u32 v6, $0x2  }
0x16e: {  	v6 =	vor.u32 v5, v6;
	_ =	sdelay $0x2  }
.Ltmp10:
0x16f: {  	(pc) =	sbr.rel @p0 .LBB2_17-.Ltmp10, $3  }
0x170: {  	_ = 	snop  }
0x171: {  	v6 =	vld.idx.msk [tilespmem:v6+s13+$0x0], $0xffff;
	_ =	sdelay $0x1  }
0x172: {  	v7 =	vor.u32 s20, v4;
	s20 =	sadd.s32 $0x4, s20  }
0x173: {  	_ =	sdelay $0x1  }
0x174: {  	s19 =	sadd.s32 $0x10, s19  }
0x175: {  	[tilespmem:s19+$0x0] =	vst v6  }
0x176: {  	v6 =	vld.idx.msk [tilespmem:v7+s14+$0x0], $0xffff;
	_ =	sdelay $0x4  }
0x177: {  	v6 =	vshll.u32 v6, $0x2  }
0x178: {  	v6 =	vor.u32 v5, v6;
	_ =	sdelay $0x4  }
0x179: {  	v6 =	vld.idx.msk [tilespmem:v6+s13+$0x0], $0xffff;
	_ =	sdelay $0x3  }
0x17a: {  	s19 =	sadd.s32 $0x10, s19  }
0x17b: {  	[tilespmem:s19+$0x0] =	vst v6  }
0x17c: {  	[hbm4b:s8+s2] =	stream.linear.scatter [tilespmem:s15], [sflag:$0x1], $0x130, $0x38;
	[tilespmem:$0xE680] =	vst v63  }
0x17d: {  	_ =	swait.ge [sflag:s12], $0x130  }
0x17e: {  	[sflag:s12] =	ssyncset.done $0x0  }
0x17f: {  	[sflag:s12] =	ssyncadd.s32 $0xFFFFFED0  }
0x180: {  	[hbm4b:s9+s2] =	stream.linear.scatter [tilespmem:s16], [sflag:$0x1], $0x130, $0x38;
	[tilespmem:$0xE680] =	vst v63  }
0x181: {  	s18 =	sadd.s32 $0x1, s18;
	_ =	swait.ge [sflag:s12], $0x130  }
0x182: {  	p0 =	sne.s32 s18, s11;
	[sflag:s12] =	ssyncset.done $0x0  }
.Ltmp11:
0x183: {  	[sflag:s12] =	ssyncadd.s32 $0xFFFFFED0;
	(pc) =	sbr.rel @p0 .LBB2_1-.Ltmp11, $4  }
0x184: {  	[hbm4b:s10+s2] =	stream.linear.scatter [tilespmem:s17], [sflag:$0x1], $0x4C0, $0x38;
	[tilespmem:$0xE680] =	vst v63  }
0x185: {  	_ =	swait.ge [sflag:s12], $0x4C0  }
0x186: {  	[sflag:s12] =	ssyncset.done $0x0  }
0x187: {  	[sflag:s12] =	ssyncadd.s32 $0xFFFFFB40  }
0x188: {  	_ =	sfence.sel $0x180000  }
0x189: {  	[bflag:$0x0] =	sbarrier.arrive $0xFFFF  }
0x18a: {  	p0 =	sne.s32 s0, $0x0;
	_ =	strace $0x9000004A  }
0x18b: {  	s0 =	sadd.s32 @!p0 $0x100000, s1;
	[bflag:$0x2] =	sbarrier.arrive $0xFFFF  }
0x18c: {  	[sflag:s0] =	ssyncadd.tile.s32 @!p0 $0x1;
	_ =	shalt  }
.Lfunc_end2:
_tile_overlayer_lowered:
.L_overlay_start_2:
0x18d: {  	(tag) =	ssettag $0x2  }
0x18e: {  	s0 =	rddreg [dreg:$0x0];
	s2 =	stileid.u32  }
0x18f: {  	s1 =	rddreg [dreg:$0x1];
	p0 =	sne.s32 s2, $0x0  }
0x190: {  	s3 =	rddreg [dreg:$0x2];
	[bflag:$0x3] =	sbarrier.arrive $0xFFFF;
	s2 =	simm.s32 @!p0 $0x1C01  }
0x191: {  	[timem:s3], [sflag:s2] =	dma.local @!p0 [hbm:s0], s1  }
0x192: {  	s0 =	simm.s32 @!p0 $0x1  }
0x193: {  	_ =	swait.ge @!p0 [sflag:s0], s1  }
0x194: {  	s1 =	ssub.s32 @!p0 $0x0, s1;
	[sflag:s0] =	ssyncset.done @!p0 $0x0  }
0x195: {  	[sflag:s0] =	ssyncadd.s32 @!p0 s1  }
0x196: {  	[bflag:$0x3] =	sbarrier.arrive $0xFFFF  }
0x197: {  	_ =	shalt  }

// kernel: sparse-core-data-format-call.cloned.1.call-start
scs
called_computation_lowered:
.L_overlay_start_0:
0x0: {  	s1 =	sld [smem:$0x3FD9]  }
0x1: {  	s2 =	sld [smem:$0x3FFE];
	_ =	sdelay $0x1  }
0x2: {  	s3 =	srdreg.scid  }
0x3: {  	s0 =	sand.u32 $0x1, s3  }
0x4: {  	s17 =	sshll.u32 s0, $0xA;
	s1 =	sadd.s32 s2, s1  }
0x5: {  	s1 =	sadd.s32 s1, s17  }
0x6: {  	[smem:$0x3FC5] =	sst s1  }
0x7: {  	_ = 	snop  }
0x8: {  	(tm) =	ssettm $0x1  }
0x9: {  	s18 =	sld [smem:$0x3FFB];
	_ =	sdelay $0x3  }
0xa: {  	_ =	strace s18  }
0xb: {  	s1 =	sld [smem:$0x3FFC];
	_ =	sdelay $0x3  }
0xc: {  	_ =	strace s1  }
0xd: {  	s1 =	sld [smem:$0x3FFD];
	_ =	sdelay $0x3  }
0xe: {  	_ =	strace s1  }
0xf: {  	_ =	strace $0x8FFFFFFF  }
0x10: {  	s19 =	sld [smem:$0x3FDB];
	_ =	sdelay $0x1  }
0x11: {  	s20 =	simm.s32 $_scs_section_size  }
0x12: {  	s4 =	simm.s32 $_size__tile_overlayer_lowered;
	s5 =	simm.s32 $_tile_overlayer_lowered  }
0x13: {  	s23 =	simm.s32 $0x1BFF;
	s22 =	sshll.u32 s5, $0x1;
	s1 =	sadd.s32 s20, s19  }
0x14: {  	s6 =	simm.s32 $0x0;
	s21 =	sshll.u32 s4, $0x1;
	s4 =	sadd.s32 s22, s1  }
0x15: {  	[timem:s6], [sflag:s23] =	dma.local [hbm:s4], s21  }
0x16: {  	_ =	swait.ge [sflag:s23], s21  }
0x17: {  	s2 =	ssub.s32 $0x0, s21;
	[sflag:s23] =	ssyncset.done $0x0  }
0x18: {  	[sflag:s23] =	ssyncadd.s32 s2;
	_ =	sdelay $0x1  }
0x19: {  	s24 =	simm.s32 $0x1B8B  }
0x1a: {  	_ =	swait.ge [sflag:s24], $0x1  }
0x1b: {  	[sflag:s24] =	ssyncset.done $0x0  }
0x1c: {  	s26 =	simm.s32 $0x1B8E;
	s25 =	sld [smem:$0x3FFE];
	[sflag:s24] =	ssyncadd.s32 $0xFFFFFFFF  }
0x1d: {  	s27 =	simm.s32 $execute0_lowered;
	[smem:$0x3FD2] =	sst s26  }
0x1e: {  	s4 =	sshll.u32 s27, $0x1;
	_ =	strace $0x80000046;
	[dreg:$0x1] =	wrdreg $0xFFFFFFFF  }
0x1f: {  	s28 =	simm.s32 $_size_execute0_lowered;
	s1 =	sadd.s32 s1, s4;
	[dreg:$0x0] =	wrdreg $0x0  }
0x20: {  	s4 =	sshll.u32 s28, $0x1;
	[dreg:$0x2] =	wrdreg s1  }
0x21: {  	[dreg:$0x3] =	wrdreg s4  }
0x22: {  	[dreg:$0x4] =	wrdreg $0xC0  }
0x23: {  	_ =	task [dreg:s6], $0x5FFFF  }
0x24: {  	[dreg:$0x1] =	wrdreg $0xFFFFFFFF  }
0x25: {  	[dreg:$0x0] =	wrdreg $0x60  }
0x26: {  	[dreg:$0x2] =	wrdreg s25  }
0x27: {  	[dreg:$0x3] =	wrdreg $0x9  }
0x28: {  	_ =	task.clear_ibuf [dreg:s6], $0x4FFFF;
	_ =	strace $0x90000046  }
0x29: {  	s29 =	simm.s32 $0x9;
	_ =	strace $0x80000048  }
0x2a: {  	_ =	swait.ge [sflag:s29], $0x1  }
0x2b: {  	[sflag:s29] =	ssyncadd.s32 $0xFFFFFFFF  }
0x2c: {  	_ =	strace $0x90000048  }
0x2d: {  	_ =	sfence  }
0x2e: {  	s30 =	sld [smem:$0x0];
	_ =	sdelay $0x2  }
0x2f: {  	s31 =	sshll.u32 s3, $0xD;
	s3 =	sshrl.u32 s3, $0x2  }
0x30: {  	s2 =	sand.u32 $0x4000, s31;
	s1 =	sadd.s32 s3, s30  }
0x31: {  	s0 =	sor.u32 s2, s0;
	s1 =	sshll.u32 s1, $0x11  }
0x32: {  	s0 =	sor.u32 s1, s0  }
0x33: {  	s0 =	sadd.s32 $0x8F2B, s0  }
0x34: {  	[sflag:s0] =	ssyncadd.remote.s32 $0x1  }
0x35: {  	_ =	sfence.sel $0xFFFF  }
0x36: {  	[dreg:$0x0] =	wrdreg $0xFFFFFFFF;
	(pc) =	sbr.abs _section_cstart, $3  }
0x37: {  	[dreg:$0x1] =	wrdreg $0xFFFFFFFF  }
0x38: {  	_ =	task.clear_ibuf [dreg:s6], $0x2FFFF;
	_ =	strace $0x9FFFFFFF  }
0x39: {  	(tm) =	ssettm $0x7FFFFFFF  }
tec
execute0_lowered:
.L_overlay_start_1:
0x0: {  	(tag) =	ssettag $0x1  }
0x1: {  	s0 =	srdreg.scid  }
0x2: {  	s1 =	sshll.u32 s0, $0x4  }
0x3: {  	s4 =	rddreg [dreg:$0x0];
	s0 =	stileid.u32;
	s1 =	sand.u32 $0x10, s1  }
0x4: {  	s7 =	simm.s32 $0x1;
	s8 =	simm.s32 $0x2;
	s1 =	sor.u32 s0, s1  }
0x5: {  	s9 =	simm.s32 $0x0;
	s12 =	simm.s32 $0x0;
	s2 =	sshll.u32 s1, $0x3  }
0x6: {  	s11 =	simm.s32 $0x0;
	s3 =	sadd.s32 $0x1C00, s4;
	s6 =	ssub.s32 $0x5000, s2  }
.Ltmp0:
0x7: {  	s4 =	sadd.s32 $0x515C00, s4;
	s5 =	sand.u32 $0xF8, s6;
	(pc) =	sbr.rel .LBB1_1-.Ltmp0, $4  }
0x8: {  	s1 =	rddreg [dreg:$0x1];
	_ =	strace $0x80000047;
	p0 =	sne.s32 s5, $0x0  }
0x9: {  	s6 =	sshrl.u32 s6, $0x8;
	s5 =	simm.s32 $0x1;
	s7 =	simm.s32 @!p0 $0x0  }
0xa: {  	s10 =	smov.u32 s2;
	[sflag:s5] =	ssyncpa.u1 $0x0;
	s6 =	sadd.s32 s7, s6  }
0xb: {  	[sflag:s8] =	ssyncpa.u1 $0x0;
	s8 =	simm.s32 $0x0;
	s7 =	sadd.s32 $0x1, s6  }
.LBB1_9:
0xc: {  	s14 =	sadd.s32 $0x100, s10  }
0xd: {  	p1 =	sgt.s32 s14, $0x4FFF  }
0xe: {  	s14 =	smov.u32 @p1 s2;
	p1 =	sne.s32 s11, s7  }
.Ltmp1:
0xf: {  	p0 =	slt.u32 s11, $0x2;
	(pc) =	sbr.rel @!p1 .LBB1_10-.Ltmp1, $4  }
0x10: {  	s13 =	simm.s32 @!p0 $0x2  }
0x11: {  	s15 =	sadd.s32 $0x1, s11;
	_ =	swait.ge @!p0 [sflag:s13], $0x4000  }
0x12: {  	s12 =	smov.u32 s10;
	s9 =	sadd.s32 $0x4000, s9;
	[sflag:s13] =	ssyncset.done @!p0 $0x0  }
0x13: {  	s11 =	smov.u32 s15;
	s10 =	smov.u32 s14;
	[sflag:s13] =	ssyncadd.s32 @!p0 $0xFFFFC000  }
.LBB1_1:
0x14: {  	p0 =	sge.u32 s11, s6  }
0x15: {  	s13 =	sxor.u32 @!p0 $0xFFFFFFFF, s11  }
0x16: {  	s31 =	sadd.s32 $0xFFFFFFFF, s11;
	s14 =	sshll.u32 @!p0 s10, $0x8;
	s13 =	sshll.u32 @!p0 s13, $0xE  }
0x17: {  	s15 =	simm.s32 @!p0 $0x0;
	s14 =	sadd.s32 @!p0 s3, s14;
	s13 =	sand.u32 @!p0 $0x4000, s13  }
0x18: {  	[tilespmem:s13], [sflag:$0x1] =	stream.linear.gather @!p0 [hbm4b:s14+s15], $0x4000, $0x38;
	[tilespmem:$0x10000] =	vst v63  }
0x19: {  	p0 =	sge.u32 s31, s6  }
.Ltmp2:
0x1a: {  	_ = 	snop;
	(pc) =	sbr.rel @p0 .LBB1_9-.Ltmp2, $1  }
0x1b: {  	_ =	sdelay $0x3  }
0x1c: {  	s13 =	sshll.u32 s9, $0x2;
	_ =	swait.ge [sflag:s5], $0x4000;
	s14 =	sshll.u32 s11, $0xE  }
0x1d: {  	s16 =	simm.s32 $0x0;
	s17 =	simm.s32 $0x0;
	s15 =	sand.u32 $0x10000, s13  }
0x1e: {  	[sflag:s5] =	ssyncset.done $0x0;
	s31 =	sand.u32 $0x4000, s14;
	s14 =	sshrl.u32 s15, $0x2  }
0x1f: {  	[sflag:s5] =	ssyncadd.s32 $0xFFFFC000;
	s13 =	sor.u32 $0x8000, s31;
	s15 =	sor.u32 $0x8000, s14  }
.LBB1_3:
0x20: {  	s18 =	sshra.s32 s16, $0x2  }
0x21: {  	v0 =	vmov s18;
	_ =	sdelay $0x3  }
0x22: {  	p1 =	por $0x1, $0x1;
	s18 =	simm.s32 $0x0  }
.LBB1_4:
0x23: {  	_ = 	snop  }
0x24: {  	s19 =	sshll.u32 s18, $0xA  }
0x25: {  	s19 =	sand.u32 $0x3FFFFC00, s19  }
0x26: {  	s19 =	sadd.s32 s19, s14  }
0x27: {  	v5 =	vld.idx.msk [tilespmem:v0+s19+$0x70 ss:$0x1], $0xffff  }
0x28: {  	v6 =	vld.idx.msk [tilespmem:v0+s19+$0x10 ss:$0x1], $0xffff  }
0x29: {  	v7 =	vld.idx.msk [tilespmem:v0+s19+$0x20 ss:$0x1], $0xffff  }
0x2a: {  	s31 =	sshll.u32 s18, $0x7;
	v1 =	vld.idx.msk [tilespmem:v0+s19+$0x30 ss:$0x1], $0xffff  }
0x2b: {  	s18 =	sand.u32 $0x3FFFFF80, s31;
	v2 =	vld.idx.msk [tilespmem:v0+s19+$0x40 ss:$0x1], $0xffff  }
0x2c: {  	s18 =	sadd.s32 s18, s15;
	v3 =	vld.idx.msk [tilespmem:v0+s19+$0x50 ss:$0x1], $0xffff  }
0x2d: {  	v4 =	vld.idx.msk [tilespmem:v0+s19+$0x60 ss:$0x1], $0xffff;
	[tilespmem:v0+s18+$0x70 ss:$0x1] =	vst.idx.msk $0xffff, v5  }
0x2e: {  	v5 =	vld.idx.msk [tilespmem:v0+s19+$0x0 ss:$0x1], $0xffff;
	[tilespmem:v0+s18+$0x10 ss:$0x1] =	vst.idx.msk $0xffff, v6;
	s19 =	sadd.s32 $0x80, s19  }
0x2f: {  	p0 =	por p1, p1;
	s20 =	simm.s32 $0x6;
	[tilespmem:v0+s18+$0x20 ss:$0x1] =	vst.idx.msk $0xffff, v7;
	v6 =	vld.idx.msk [tilespmem:v0+s19+$0x70 ss:$0x1], $0xffff  }
.LBB1_5:
0x30: {  	p1 =	sne.s32 s20, $0x1;
	v7 =	vld.idx.msk [tilespmem:v0+s19+$0x10 ss:$0x1], $0xffff;
	[tilespmem:v0+s18+$0x30 ss:$0x1] =	vst.idx.msk $0xffff, v1  }
0x31: {  	v8 =	vld.idx.msk [tilespmem:v0+s19+$0x20 ss:$0x1], $0xffff;
	[tilespmem:v0+s18+$0x40 ss:$0x1] =	vst.idx.msk $0xffff, v2  }
0x32: {  	v1 =	vld.idx.msk [tilespmem:v0+s19+$0x30 ss:$0x1], $0xffff;
	[tilespmem:v0+s18+$0x50 ss:$0x1] =	vst.idx.msk $0xffff, v3  }
.Ltmp3:
0x33: {  	v2 =	vld.idx.msk [tilespmem:v0+s19+$0x40 ss:$0x1], $0xffff;
	[tilespmem:v0+s18+$0x60 ss:$0x1] =	vst.idx.msk $0xffff, v4;
	(pc) =	sbr.rel @p1 .LBB1_5-.Ltmp3, $4  }
0x34: {  	v3 =	vld.idx.msk [tilespmem:v0+s19+$0x50 ss:$0x1], $0xffff;
	[tilespmem:v0+s18+$0x0 ss:$0x1] =	vst.idx.msk $0xffff, v5;
	s18 =	sadd.s32 $0x100, s18  }
0x35: {  	v4 =	vld.idx.msk [tilespmem:v0+s19+$0x60 ss:$0x1], $0xffff;
	[tilespmem:v0+s18+$0x70 ss:$0x1] =	vst.idx.msk $0xffff, v6  }
0x36: {  	v5 =	vld.idx.msk [tilespmem:v0+s19+$0x0 ss:$0x1], $0xffff;
	[tilespmem:v0+s18+$0x10 ss:$0x1] =	vst.idx.msk $0xffff, v7;
	s19 =	sadd.s32 $0x80, s19  }
0x37: {  	s20 =	sadd.s32 $0xFFFFFFFF, s20;
	v6 =	vld.idx.msk [tilespmem:v0+s19+$0x70 ss:$0x1], $0xffff;
	[tilespmem:v0+s18+$0x20 ss:$0x1] =	vst.idx.msk $0xffff, v8  }
0x38: {  	_ =	sdelay $0x3  }
0x39: {  	[tilespmem:v0+s18+$0x30 ss:$0x1] =	vst.idx.msk $0xffff, v1  }
0x3a: {  	v1 =	vld.idx.msk [tilespmem:v0+s19+$0x10 ss:$0x1], $0xffff;
	[tilespmem:v0+s18+$0x40 ss:$0x1] =	vst.idx.msk $0xffff, v2  }
0x3b: {  	v2 =	vld.idx.msk [tilespmem:v0+s19+$0x20 ss:$0x1], $0xffff;
	[tilespmem:v0+s18+$0x50 ss:$0x1] =	vst.idx.msk $0xffff, v3  }
0x3c: {  	v61 =	vld.idx.msk [tilespmem:v0+s19+$0x40 ss:$0x1], $0xffff;
	[tilespmem:v0+s18+$0x60 ss:$0x1] =	vst.idx.msk $0xffff, v4  }
0x3d: {  	s31 =	sadd.s32 $0x100, s18;
	v62 =	vld.idx.msk [tilespmem:v0+s19+$0x50 ss:$0x1], $0xffff;
	[tilespmem:v0+s18+$0x0 ss:$0x1] =	vst.idx.msk $0xffff, v5  }
0x3e: {  	v63 =	vld.idx.msk [tilespmem:v0+s19+$0x60 ss:$0x1], $0xffff;
	[tilespmem:v0+s31+$0x70 ss:$0x1] =	vst.idx.msk $0xffff, v6  }
0x3f: {  	v3 =	vld.idx.msk [tilespmem:v0+s19+$0x30 ss:$0x1], $0xffff;
	[tilespmem:v0+s31+$0x10 ss:$0x1] =	vst.idx.msk $0xffff, v1  }
0x40: {  	v1 =	vld.idx.msk [tilespmem:v0+s19+$0x0 ss:$0x1], $0xffff;
	[tilespmem:v0+s31+$0x20 ss:$0x1] =	vst.idx.msk $0xffff, v2  }
.Ltmp4:
0x41: {  	[tilespmem:v0+s31+$0x40 ss:$0x1] =	vst.idx.msk $0xffff, v61;
	(pc) =	sbr.rel @p0 .LBB1_4-.Ltmp4, $4  }
0x42: {  	[tilespmem:v0+s31+$0x50 ss:$0x1] =	vst.idx.msk $0xffff, v62  }
0x43: {  	[tilespmem:v0+s31+$0x60 ss:$0x1] =	vst.idx.msk $0xffff, v63  }
0x44: {  	[tilespmem:v0+s31+$0x30 ss:$0x1] =	vst.idx.msk $0xffff, v3  }
0x45: {  	p1 =	por $0x0, $0x0;
	s18 =	simm.s32 $0x1;
	[tilespmem:v0+s31+$0x0 ss:$0x1] =	vst.idx.msk $0xffff, v1  }
0x46: {  	s17 =	sadd.s32 $0x1, s17  }
0x47: {  	p0 =	sne.s32 s17, $0x8  }
.Ltmp5:
0x48: {  	_ = 	snop;
	(pc) =	sbr.rel @p0 .LBB1_3-.Ltmp5, $2  }
0x49: {  	_ =	sdelay $0x2  }
0x4a: {  	s16 =	sadd.s32 $0x2000, s16  }
.Ltmp6:
0x4b: {  	(pc) =	sbr.rel .LBB1_9-.Ltmp6, $4  }
0x4c: {  	_ = 	snop  }
0x4d: {  	s12 =	sshll.u32 s12, $0x8  }
0x4e: {  	s12 =	sadd.s32 s4, s12  }
0x4f: {  	[hbm4b:s12+s8] =	stream.linear.scatter [tilespmem:s13], [sflag:$0x2], $0x4000, $0x38;
	[tilespmem:$0x10000] =	vst v63  }
.LBB1_10:
0x50: {  	_ =	sfence.sel $0x180000  }
0x51: {  	s2 =	simm.s32 $0x1;
	[bflag:$0x0] =	sbarrier.arrive $0xFFFF  }
0x52: {  	s31 =	simm.s32 $0x2;
	[sflag:s2] =	ssyncpa.u1 $0x1  }
0x53: {  	[sflag:s31] =	ssyncpa.u1 $0x1  }
0x54: {  	p0 =	sne.s32 s0, $0x0;
	_ =	strace $0x90000047  }
0x55: {  	s0 =	sadd.s32 @!p0 $0x100000, s1;
	[bflag:$0x2] =	sbarrier.arrive $0xFFFF  }
0x56: {  	[sflag:s0] =	ssyncadd.tile.s32 @!p0 $0x1;
	_ =	shalt  }
.Lfunc_end1:
_tile_overlayer_lowered:
.L_overlay_start_2:
0x57: {  	(tag) =	ssettag $0x2  }
0x58: {  	s0 =	rddreg [dreg:$0x0];
	s2 =	stileid.u32  }
0x59: {  	s1 =	rddreg [dreg:$0x1];
	p0 =	sne.s32 s2, $0x0  }
0x5a: {  	s3 =	rddreg [dreg:$0x2];
	[bflag:$0x3] =	sbarrier.arrive $0xFFFF;
	s2 =	simm.s32 @!p0 $0x1C01  }
0x5b: {  	[timem:s3], [sflag:s2] =	dma.local @!p0 [hbm:s0], s1  }
0x5c: {  	s0 =	simm.s32 @!p0 $0x1  }
0x5d: {  	_ =	swait.ge @!p0 [sflag:s0], s1  }
0x5e: {  	s1 =	ssub.s32 @!p0 $0x0, s1;
	[sflag:s0] =	ssyncset.done @!p0 $0x0  }
0x5f: {  	[sflag:s0] =	ssyncadd.s32 @!p0 s1  }
0x60: {  	[bflag:$0x3] =	sbarrier.arrive $0xFFFF  }
0x61: {  	_ =	shalt  }

</sc_bundles>
